<compile_context>
chip_gen: v7x
topology: tpu7x:2x2x1
jax: 0.10.2.dev20260603
libtpu: 0.0.44.dev20260713+nightly
codegen_flags: <defaults>
</compile_context>

<pallas_src>
import functools

import jax
import jax.numpy as jnp
from jax import lax
from jax.experimental import pallas as pl
from jax.experimental.pallas import tpu as pltpu
from jax.experimental.pallas import tpu_sc as plsc

F = 26
V = 51
D = 64
B = 16384
NC = 2
NS = 16
NW = NC * NS
BPW = B // NW
CHK = 128
NCHK = BPW // CHK
VR = D + 1
TAB = F * V * VR
FSPLIT = 16

_mesh = plsc.VectorSubcoreMesh(
    core_axis_name="c", subcore_axis_name="s", num_cores=NC, num_subcores=NS)


@functools.partial(
    pl.kernel,
    out_type=jax.ShapeDtypeStruct((F, D, B), jnp.float32),
    mesh=_mesh,
    scratch_types=[
        pltpu.VMEM((TAB,), jnp.float32),
        pltpu.VMEM((F, BPW), jnp.int32),
        pltpu.VMEM((2, D, CHK), jnp.float32),
        pltpu.SemaphoreType.DMA,
        pltpu.SemaphoreType.DMA,
        pltpu.SemaphoreType.DMA,
    ],
    compiler_params=pltpu.CompilerParams(
        use_tc_tiling_on_sc=True, needs_layout_passes=False),
)
def _emb_lookup(tab_hbm, idx_hbm, out_hbm, tab_v, idx_v, blk_v,
                sem0, sem1, semt):
    wid = lax.axis_index("s") * NC + lax.axis_index("c")
    b0 = wid * BPW

    h1 = FSPLIT * V * VR
    pltpu.async_copy(tab_hbm.at[pl.ds(0, h1)], tab_v.at[pl.ds(0, h1)], semt)
    pltpu.async_copy(
        tab_hbm.at[pl.ds(h1, TAB - h1)], tab_v.at[pl.ds(h1, TAB - h1)], semt)
    pltpu.sync_copy(idx_hbm.at[:, pl.ds(b0, BPW)], idx_v)
    pltpu.make_async_copy(
        tab_hbm.at[pl.ds(0, h1)], tab_v.at[pl.ds(0, h1)], semt).wait()

    sems = (sem0, sem1)

    def stage(f, h, slot, basev):
        for i0 in range(0, CHK // 16, 4):
            flats = []
            for g in range(4):
                idx16 = idx_v[f, pl.ds(h * CHK + (i0 + g) * 16, 16)]
                flats.append(idx16 * VR + basev)
            def dbody(d):
                for g in range(4):
                    blk_v[slot, d, pl.ds((i0 + g) * 16, 16)] = (
                        plsc.load_gather(tab_v, [flats[g] + d]))
            plsc.parallel_loop(0, D, unroll=4)(dbody)
        pltpu.async_copy(
            blk_v.at[slot],
            out_hbm.at[f, :, pl.ds(b0 + h * CHK, CHK)],
            sems[slot])

    def wait(slot):
        pltpu.make_async_copy(
            blk_v.at[slot],
            out_hbm.at[0, :, pl.ds(b0, CHK)],
            sems[slot]).wait()

    def run_f(f):
        @pl.when(f == FSPLIT)
        def _():
            pltpu.make_async_copy(
                tab_hbm.at[pl.ds(h1, TAB - h1)],
                tab_v.at[pl.ds(h1, TAB - h1)], semt).wait()
        basev = jnp.full((16,), f * (V * VR), dtype=jnp.int32)
        for h in range(NCHK):
            slot = h % 2
            if h < 2:
                @pl.when(f > 0)
                def _():
                    wait(slot)
            else:
                wait(slot)
            stage(f, h, slot, basev)
    pl.loop(0, F)(run_f)

    wait(0)
    wait(1)


def kernel(x, tables):
    tab_flat = jnp.pad(tables, ((0, 0), (0, 0), (0, VR - D))).reshape(TAB)
    out_t = _emb_lookup(tab_flat, x.T)
    return jnp.transpose(out_t, (2, 0, 1))

# --- scband reference (transcript-rebuilt; emitter-appended) ---
"""Pipeline reference for scband-embedding-cat-features-69655779606986 (READ-ONLY COPY).

The authoritative reference and input builder live on the scoring server;
editing this copy changes nothing except your own understanding.
"""

import jax, jax.numpy as jnp
import numpy as np

NUM_FEATURES = 26
VOCAB_SIZE = 51  # 50 vocabulary tokens + 1 OOV slot created by StringLookup
EMB_DIM = 64
BATCH = 16384


def setup_inputs(seed: int = 0) -> dict:
    key = jax.random.key(seed)
    k_tab, k_idx = jax.random.split(key)
    init_val = 1.0 / np.sqrt(EMB_DIM)
    # One embedding table per categorical feature, uniform(-1/sqrt(d), 1/sqrt(d)) init
    tables = jax.random.uniform(
        k_tab, (NUM_FEATURES, VOCAB_SIZE, EMB_DIM),
        minval=-init_val, maxval=init_val, dtype=jnp.float32)
    # StringLookup output: integer ids in [0, vocabulary_size)
    x = jax.random.randint(k_idx, (BATCH, NUM_FEATURES), 0, VOCAB_SIZE, dtype=jnp.int32)
    return {"x": x, "tables": tables}


def reference(x, tables):
    # For each feature column i: gather tables[i][x[:, i]] -> (B, D), then stack over features.
    # Vectorized form: advanced indexing with broadcast feature ids.
    feat_ids = jnp.arange(NUM_FEATURES)[None, :]  # (1, F)
    out = tables[feat_ids, x]                      # (B, F, D)
    return out

if __name__ == "__main__":
    import jax
    _d = setup_inputs()
    print(jax.jit(kernel)(*tuple(_d.values())))

</pallas_src>

<mosaic_0001>
#map = affine_map<(d0, d1) -> (0)>
#map1 = affine_map<(d0, d1) -> (0, 0)>
#map2 = affine_map<(d0, d1) -> (0, 0, 0)>
module attributes {stable_mosaic.version = 14 : i64} {
  func.func @_emb_lookup(%arg0: i32, %arg1: i32, %arg2: memref<86190xf32, #tpu.memory_space<hbm>>, %arg3: memref<26x16384xi32, #tpu.memory_space<hbm>>, %arg4: memref<26x64x16384xf32, #tpu.memory_space<hbm>>, %arg5: memref<86190xf32, #tpu.memory_space<vmem>>, %arg6: memref<26x512xi32, #tpu.memory_space<vmem>>, %arg7: memref<2x64x128xf32, #tpu.memory_space<vmem>>, %arg8: memref<!tpu.dma_semaphore, #tpu.memory_space<semaphore_mem>>, %arg9: memref<!tpu.dma_semaphore, #tpu.memory_space<semaphore_mem>>, %arg10: memref<!tpu.dma_semaphore, #tpu.memory_space<semaphore_mem>>) attributes {dimension_semantics = [#tpu.dimension_semantics<core_parallel>, #tpu.dimension_semantics<subcore_parallel>], iteration_bounds = array<i64: 2, 16>, scalar_prefetch = 0 : i64, scratch_operands = 6 : i64, tpu.core_type = #tpu.core_type<sc_vector_subcore>, window_params = [{transform_indices = #map}, {transform_indices = #map1}, {transform_indices = #map2}]} {
    %mul3A = arith.constant 2 : i32
    %mul3A_0 = arith.muli %arg1, %mul3A : i32
    %add3A = arith.addi %mul3A_0, %arg0 : i32
    %mul3A_1 = arith.constant 512 : i32
    %mul3A_2 = arith.muli %add3A, %mul3A_1 : i32
    %dma_start3A = arith.constant 0 : i32
    %dma_start3A_3 = tpu.memref_slice %arg5[%dma_start3A] : memref<86190xf32, #tpu.memory_space<vmem>> -> memref<53040xf32, #tpu.memory_space<vmem>>
    %dma_start3A_4 = arith.constant 0 : i32
    %dma_start3A_5 = tpu.memref_slice %arg2[%dma_start3A_4] : memref<86190xf32, #tpu.memory_space<hbm>> -> memref<53040xf32, #tpu.memory_space<hbm>>
    %dma_start3A_6 = arith.constant 0 : i32
    %dma_start3A_7 = tpu.memref_slice %arg5[%dma_start3A_6] : memref<86190xf32, #tpu.memory_space<vmem>> -> memref<53040xf32, #tpu.memory_space<vmem>>
    %dma_start3A_8 = arith.constant 0 : i32
    %dma_start3A_9 = tpu.memref_slice %arg2[%dma_start3A_8] : memref<86190xf32, #tpu.memory_space<hbm>> -> memref<53040xf32, #tpu.memory_space<hbm>>
    tpu.enqueue_dma source(%dma_start3A_9 : memref<53040xf32, #tpu.memory_space<hbm>>) target(%dma_start3A_7 : memref<53040xf32, #tpu.memory_space<vmem>>) target_semaphore(%arg10 : memref<!tpu.dma_semaphore, #tpu.memory_space<semaphore_mem>>)
    %dma_start3A_10 = arith.constant 53040 : i32
    %dma_start3A_11 = tpu.memref_slice %arg5[%dma_start3A_10] : memref<86190xf32, #tpu.memory_space<vmem>> -> memref<33150xf32, #tpu.memory_space<vmem>>
    %dma_start3A_12 = arith.constant 53040 : i32
    %dma_start3A_13 = tpu.memref_slice %arg2[%dma_start3A_12] : memref<86190xf32, #tpu.memory_space<hbm>> -> memref<33150xf32, #tpu.memory_space<hbm>>
    %dma_start3A_14 = arith.constant 53040 : i32
    %dma_start3A_15 = tpu.memref_slice %arg5[%dma_start3A_14] : memref<86190xf32, #tpu.memory_space<vmem>> -> memref<33150xf32, #tpu.memory_space<vmem>>
    %dma_start3A_16 = arith.constant 53040 : i32
    %dma_start3A_17 = tpu.memref_slice %arg2[%dma_start3A_16] : memref<86190xf32, #tpu.memory_space<hbm>> -> memref<33150xf32, #tpu.memory_space<hbm>>
    tpu.enqueue_dma source(%dma_start3A_17 : memref<33150xf32, #tpu.memory_space<hbm>>) target(%dma_start3A_15 : memref<33150xf32, #tpu.memory_space<vmem>>) target_semaphore(%arg10 : memref<!tpu.dma_semaphore, #tpu.memory_space<semaphore_mem>>)
    "tpu.region"() ({
      %run_scoped3A = tpu.sem_alloc : memref<!tpu.dma_semaphore, #tpu.memory_space<semaphore_mem>>
      %dma_start3A_61 = arith.constant 0 : i32
      %dma_start3A_62 = tpu.memref_slice %arg3[%dma_start3A_61, %mul3A_2] : memref<26x16384xi32, #tpu.memory_space<hbm>> -> memref<26x512xi32, #tpu.memory_space<hbm>>
      %dma_start3A_63 = arith.constant 0 : i32
      %dma_start3A_64 = tpu.memref_slice %arg3[%dma_start3A_63, %mul3A_2] : memref<26x16384xi32, #tpu.memory_space<hbm>> -> memref<26x512xi32, #tpu.memory_space<hbm>>
      tpu.enqueue_dma source(%dma_start3A_64 : memref<26x512xi32, #tpu.memory_space<hbm>>) target(%arg6 : memref<26x512xi32, #tpu.memory_space<vmem>>) target_semaphore(%run_scoped3A : memref<!tpu.dma_semaphore, #tpu.memory_space<semaphore_mem>>)
      %dma_wait3A_65 = arith.constant 0 : i32
      %dma_wait3A_66 = tpu.memref_slice %arg3[%dma_wait3A_65, %mul3A_2] : memref<26x16384xi32, #tpu.memory_space<hbm>> -> memref<26x512xi32, #tpu.memory_space<hbm>>
      %dma_wait3A_67 = arith.constant 0 : i32
      %dma_wait3A_68 = tpu.memref_slice %arg3[%dma_wait3A_67, %mul3A_2] : memref<26x16384xi32, #tpu.memory_space<hbm>> -> memref<26x512xi32, #tpu.memory_space<hbm>>
      tpu.wait_dma2 semaphore(%run_scoped3A : memref<!tpu.dma_semaphore, #tpu.memory_space<semaphore_mem>>) src(%dma_wait3A_68 : memref<26x512xi32, #tpu.memory_space<hbm>>) dst(%arg6 : memref<26x512xi32, #tpu.memory_space<vmem>>)
      tpu.yield
    }) : () -> ()
    %dma_wait3A = arith.constant 0 : i32
    %dma_wait3A_18 = tpu.memref_slice %arg5[%dma_wait3A] : memref<86190xf32, #tpu.memory_space<vmem>> -> memref<53040xf32, #tpu.memory_space<vmem>>
    %dma_wait3A_19 = arith.constant 0 : i32
    %dma_wait3A_20 = tpu.memref_slice %arg2[%dma_wait3A_19] : memref<86190xf32, #tpu.memory_space<hbm>> -> memref<53040xf32, #tpu.memory_space<hbm>>
    %dma_wait3A_21 = arith.constant 0 : i32
    %dma_wait3A_22 = tpu.memref_slice %arg5[%dma_wait3A_21] : memref<86190xf32, #tpu.memory_space<vmem>> -> memref<53040xf32, #tpu.memory_space<vmem>>
    %dma_wait3A_23 = arith.constant 0 : i32
    %dma_wait3A_24 = tpu.memref_slice %arg2[%dma_wait3A_23] : memref<86190xf32, #tpu.memory_space<hbm>> -> memref<53040xf32, #tpu.memory_space<hbm>>
    tpu.wait_dma2 semaphore(%arg10 : memref<!tpu.dma_semaphore, #tpu.memory_space<semaphore_mem>>) src(%dma_wait3A_24 : memref<53040xf32, #tpu.memory_space<hbm>>) dst(%dma_wait3A_22 : memref<53040xf32, #tpu.memory_space<vmem>>)
    %scan3A = arith.constant 0 : i32
    %scan3A_25 = arith.constant 26 : i32
    %scan3A_26 = arith.addi %scan3A, %scan3A_25 : i32
    %scan3A_27 = arith.constant 1 : i32
    scf.for %scan3A_61 = %scan3A to %scan3A_26 step %scan3A_27  : i32 {
      %mul3A_62 = arith.constant 1 : i32
      %mul3A_63 = arith.muli %scan3A_61, %mul3A_62 : i32
      %add3A_64 = arith.constant 0 : i32
      %add3A_65 = arith.addi %add3A_64, %mul3A_63 : i32
      %eq3A = arith.constant 16 : i32
      %eq3A_66 = arith.cmpi eq, %add3A_65, %eq3A : i32
      %convert_element_type3A = arith.extui %eq3A_66 : i1 to i32
      %cond3A = arith.constant 0 : i32
      %cond3A_67 = arith.cmpi ne, %convert_element_type3A, %cond3A : i32
      scf.if %cond3A_67 {
        %dma_wait3A_425 = arith.constant 53040 : i32
        %dma_wait3A_426 = tpu.memref_slice %arg5[%dma_wait3A_425] : memref<86190xf32, #tpu.memory_space<vmem>> -> memref<33150xf32, #tpu.memory_space<vmem>>
        %dma_wait3A_427 = arith.constant 53040 : i32
        %dma_wait3A_428 = tpu.memref_slice %arg2[%dma_wait3A_427] : memref<86190xf32, #tpu.memory_space<hbm>> -> memref<33150xf32, #tpu.memory_space<hbm>>
        %dma_wait3A_429 = arith.constant 53040 : i32
        %dma_wait3A_430 = tpu.memref_slice %arg5[%dma_wait3A_429] : memref<86190xf32, #tpu.memory_space<vmem>> -> memref<33150xf32, #tpu.memory_space<vmem>>
        %dma_wait3A_431 = arith.constant 53040 : i32
        %dma_wait3A_432 = tpu.memref_slice %arg2[%dma_wait3A_431] : memref<86190xf32, #tpu.memory_space<hbm>> -> memref<33150xf32, #tpu.memory_space<hbm>>
        tpu.wait_dma2 semaphore(%arg10 : memref<!tpu.dma_semaphore, #tpu.memory_space<semaphore_mem>>) src(%dma_wait3A_432 : memref<33150xf32, #tpu.memory_space<hbm>>) dst(%dma_wait3A_430 : memref<33150xf32, #tpu.memory_space<vmem>>)
      } else {
      }
      %mul3A_68 = arith.constant 3315 : i32
      %mul3A_69 = arith.muli %add3A_65, %mul3A_68 : i32
      %broadcast_in_dim3A = vector.broadcast %mul3A_69 : i32 to vector<16xi32>
      %gt3A = arith.constant 0 : i32
      %gt3A_70 = arith.cmpi sgt, %add3A_65, %gt3A : i32
      %convert_element_type3A_71 = arith.extui %gt3A_70 : i1 to i32
      %cond3A_72 = arith.constant 0 : i32
      %cond3A_73 = arith.cmpi ne, %convert_element_type3A_71, %cond3A_72 : i32
      scf.if %cond3A_73 {
        %dma_wait3A_425 = arith.constant 0 : i32
        %dma_wait3A_426 = arith.constant 0 : i32
        %dma_wait3A_427 = arith.constant 0 : i32
        %dma_wait3A_428 = arith.constant 0 : i32
        %dma_wait3A_429 = tpu.memref_slice %arg7[%dma_wait3A_425, %dma_wait3A_427, %dma_wait3A_428] : memref<2x64x128xf32, #tpu.memory_space<vmem>> -> memref<1x64x128xf32, #tpu.memory_space<vmem>>
        %dma_wait3A_430 = tpu.memref_squeeze %dma_wait3A_429 : memref<1x64x128xf32, #tpu.memory_space<vmem>> -> memref<64x128xf32, #tpu.memory_space<vmem>>
        %dma_wait3A_431 = arith.constant 0 : i32
        %dma_wait3A_432 = tpu.memref_slice %arg4[%dma_wait3A_426, %dma_wait3A_431, %mul3A_2] : memref<26x64x16384xf32, #tpu.memory_space<hbm>> -> memref<1x64x128xf32, #tpu.memory_space<hbm>>
        %dma_wait3A_433 = tpu.memref_squeeze %dma_wait3A_432 : memref<1x64x128xf32, #tpu.memory_space<hbm>> -> memref<64x128xf32, #tpu.memory_space<hbm>>
        %dma_wait3A_434 = arith.constant 0 : i32
        %dma_wait3A_435 = tpu.memref_slice %arg4[%dma_wait3A_426, %dma_wait3A_434, %mul3A_2] : memref<26x64x16384xf32, #tpu.memory_space<hbm>> -> memref<1x64x128xf32, #tpu.memory_space<hbm>>
        %dma_wait3A_436 = tpu.memref_squeeze %dma_wait3A_435 : memref<1x64x128xf32, #tpu.memory_space<hbm>> -> memref<64x128xf32, #tpu.memory_space<hbm>>
        %dma_wait3A_437 = arith.constant 0 : i32
        %dma_wait3A_438 = arith.constant 0 : i32
        %dma_wait3A_439 = tpu.memref_slice %arg7[%dma_wait3A_425, %dma_wait3A_437, %dma_wait3A_438] : memref<2x64x128xf32, #tpu.memory_space<vmem>> -> memref<1x64x128xf32, #tpu.memory_space<vmem>>
        %dma_wait3A_440 = tpu.memref_squeeze %dma_wait3A_439 : memref<1x64x128xf32, #tpu.memory_space<vmem>> -> memref<64x128xf32, #tpu.memory_space<vmem>>
        tpu.wait_dma2 semaphore(%arg8 : memref<!tpu.dma_semaphore, #tpu.memory_space<semaphore_mem>>) src(%dma_wait3A_440 : memref<64x128xf32, #tpu.memory_space<vmem>>) dst(%dma_wait3A_436 : memref<64x128xf32, #tpu.memory_space<hbm>>)
      } else {
      }
      %get3A = arith.index_cast %add3A_65 : i32 to index
      %get3A_74 = arith.constant 0 : index
      %get3A_75 = tpu.vector_load %arg6[%get3A, %get3A_74] {strides = array<i32>} : memref<26x512xi32, #tpu.memory_space<vmem>>, vector<16xi32>,
      %mul3A_76 = arith.constant 65 : i32
      %mul3A_77 = vector.broadcast %mul3A_76 : i32 to vector<16xi32>
      %mul3A_78 = arith.muli %get3A_75, %mul3A_77 : vector<16xi32>
      %add3A_79 = arith.addi %mul3A_78, %broadcast_in_dim3A : vector<16xi32>
      %get3A_80 = arith.index_cast %add3A_65 : i32 to index
      %get3A_81 = arith.constant 16 : index
      %get3A_82 = tpu.vector_load %arg6[%get3A_80, %get3A_81] {strides = array<i32>} : memref<26x512xi32, #tpu.memory_space<vmem>>, vector<16xi32>,
      %mul3A_83 = arith.constant 65 : i32
      %mul3A_84 = vector.broadcast %mul3A_83 : i32 to vector<16xi32>
      %mul3A_85 = arith.muli %get3A_82, %mul3A_84 : vector<16xi32>
      %add3A_86 = arith.addi %mul3A_85, %broadcast_in_dim3A : vector<16xi32>
      %get3A_87 = arith.index_cast %add3A_65 : i32 to index
      %get3A_88 = arith.constant 32 : index
      %get3A_89 = tpu.vector_load %arg6[%get3A_87, %get3A_88] {strides = array<i32>} : memref<26x512xi32, #tpu.memory_space<vmem>>, vector<16xi32>,
      %mul3A_90 = arith.constant 65 : i32
      %mul3A_91 = vector.broadcast %mul3A_90 : i32 to vector<16xi32>
      %mul3A_92 = arith.muli %get3A_89, %mul3A_91 : vector<16xi32>
      %add3A_93 = arith.addi %mul3A_92, %broadcast_in_dim3A : vector<16xi32>
      %get3A_94 = arith.index_cast %add3A_65 : i32 to index
      %get3A_95 = arith.constant 48 : index
      %get3A_96 = tpu.vector_load %arg6[%get3A_94, %get3A_95] {strides = array<i32>} : memref<26x512xi32, #tpu.memory_space<vmem>>, vector<16xi32>,
      %mul3A_97 = arith.constant 65 : i32
      %mul3A_98 = vector.broadcast %mul3A_97 : i32 to vector<16xi32>
      %mul3A_99 = arith.muli %get3A_96, %mul3A_98 : vector<16xi32>
      %add3A_100 = arith.addi %mul3A_99, %broadcast_in_dim3A : vector<16xi32>
      %parallel_loop3A = arith.constant 0 : i32
      %parallel_loop3A_101 = arith.constant 64 : i32
      %parallel_loop3A_102 = arith.constant 1 : i32
      scf.for %parallel_loop3A_425 = %parallel_loop3A to %parallel_loop3A_101 step %parallel_loop3A_102  : i32 {
        %parallel_loop3A_426 = vector.broadcast %parallel_loop3A_425 : i32 to vector<16xi32>
        %parallel_loop3A_427 = arith.addi %add3A_79, %parallel_loop3A_426 : vector<16xi32>
        %parallel_loop3A_428 = tpu.vector_load_idx %arg5[%parallel_loop3A_427] : memref<86190xf32, #tpu.memory_space<vmem>>[vector<16xi32>], vector<16xf32>,
        %parallel_loop3A_429 = arith.constant 0 : i32
        %parallel_loop3A_430 = arith.index_cast %parallel_loop3A_429 : i32 to index
        %parallel_loop3A_431 = arith.index_cast %parallel_loop3A_425 : i32 to index
        %parallel_loop3A_432 = arith.constant 0 : index
        %parallel_loop3A_433 = tpu.vector_load %arg7[%parallel_loop3A_430, %parallel_loop3A_431, %parallel_loop3A_432] {strides = array<i32>} : memref<2x64x128xf32, #tpu.memory_space<vmem>>, vector<16xf32>,
        tpu.vector_store %arg7[%parallel_loop3A_430, %parallel_loop3A_431, %parallel_loop3A_432], %parallel_loop3A_428 {strides = array<i32>} : memref<2x64x128xf32, #tpu.memory_space<vmem>>, vector<16xf32>,
        %parallel_loop3A_434 = vector.broadcast %parallel_loop3A_425 : i32 to vector<16xi32>
        %parallel_loop3A_435 = arith.addi %add3A_86, %parallel_loop3A_434 : vector<16xi32>
        %parallel_loop3A_436 = tpu.vector_load_idx %arg5[%parallel_loop3A_435] : memref<86190xf32, #tpu.memory_space<vmem>>[vector<16xi32>], vector<16xf32>,
        %parallel_loop3A_437 = arith.constant 0 : i32
        %parallel_loop3A_438 = arith.index_cast %parallel_loop3A_437 : i32 to index
        %parallel_loop3A_439 = arith.index_cast %parallel_loop3A_425 : i32 to index
        %parallel_loop3A_440 = arith.constant 16 : index
        %parallel_loop3A_441 = tpu.vector_load %arg7[%parallel_loop3A_438, %parallel_loop3A_439, %parallel_loop3A_440] {strides = array<i32>} : memref<2x64x128xf32, #tpu.memory_space<vmem>>, vector<16xf32>,
        tpu.vector_store %arg7[%parallel_loop3A_438, %parallel_loop3A_439, %parallel_loop3A_440], %parallel_loop3A_436 {strides = array<i32>} : memref<2x64x128xf32, #tpu.memory_space<vmem>>, vector<16xf32>,
        %parallel_loop3A_442 = vector.broadcast %parallel_loop3A_425 : i32 to vector<16xi32>
        %parallel_loop3A_443 = arith.addi %add3A_93, %parallel_loop3A_442 : vector<16xi32>
        %parallel_loop3A_444 = tpu.vector_load_idx %arg5[%parallel_loop3A_443] : memref<86190xf32, #tpu.memory_space<vmem>>[vector<16xi32>], vector<16xf32>,
        %parallel_loop3A_445 = arith.constant 0 : i32
        %parallel_loop3A_446 = arith.index_cast %parallel_loop3A_445 : i32 to index
        %parallel_loop3A_447 = arith.index_cast %parallel_loop3A_425 : i32 to index
        %parallel_loop3A_448 = arith.constant 32 : index
        %parallel_loop3A_449 = tpu.vector_load %arg7[%parallel_loop3A_446, %parallel_loop3A_447, %parallel_loop3A_448] {strides = array<i32>} : memref<2x64x128xf32, #tpu.memory_space<vmem>>, vector<16xf32>,
        tpu.vector_store %arg7[%parallel_loop3A_446, %parallel_loop3A_447, %parallel_loop3A_448], %parallel_loop3A_444 {strides = array<i32>} : memref<2x64x128xf32, #tpu.memory_space<vmem>>, vector<16xf32>,
        %parallel_loop3A_450 = vector.broadcast %parallel_loop3A_425 : i32 to vector<16xi32>
        %parallel_loop3A_451 = arith.addi %add3A_100, %parallel_loop3A_450 : vector<16xi32>
        %parallel_loop3A_452 = tpu.vector_load_idx %arg5[%parallel_loop3A_451] : memref<86190xf32, #tpu.memory_space<vmem>>[vector<16xi32>], vector<16xf32>,
        %parallel_loop3A_453 = arith.constant 0 : i32
        %parallel_loop3A_454 = arith.index_cast %parallel_loop3A_453 : i32 to index
        %parallel_loop3A_455 = arith.index_cast %parallel_loop3A_425 : i32 to index
        %parallel_loop3A_456 = arith.constant 48 : index
        %parallel_loop3A_457 = tpu.vector_load %arg7[%parallel_loop3A_454, %parallel_loop3A_455, %parallel_loop3A_456] {strides = array<i32>} : memref<2x64x128xf32, #tpu.memory_space<vmem>>, vector<16xf32>,
        tpu.vector_store %arg7[%parallel_loop3A_454, %parallel_loop3A_455, %parallel_loop3A_456], %parallel_loop3A_452 {strides = array<i32>} : memref<2x64x128xf32, #tpu.memory_space<vmem>>, vector<16xf32>,
      } {sc.loop_unroll_factor = 4 : i64, sc.parallel_access}
      %get3A_103 = arith.index_cast %add3A_65 : i32 to index
      %get3A_104 = arith.constant 64 : index
      %get3A_105 = tpu.vector_load %arg6[%get3A_103, %get3A_104] {strides = array<i32>} : memref<26x512xi32, #tpu.memory_space<vmem>>, vector<16xi32>,
      %mul3A_106 = arith.constant 65 : i32
      %mul3A_107 = vector.broadcast %mul3A_106 : i32 to vector<16xi32>
      %mul3A_108 = arith.muli %get3A_105, %mul3A_107 : vector<16xi32>
      %add3A_109 = arith.addi %mul3A_108, %broadcast_in_dim3A : vector<16xi32>
      %get3A_110 = arith.index_cast %add3A_65 : i32 to index
      %get3A_111 = arith.constant 80 : index
      %get3A_112 = tpu.vector_load %arg6[%get3A_110, %get3A_111] {strides = array<i32>} : memref<26x512xi32, #tpu.memory_space<vmem>>, vector<16xi32>,
      %mul3A_113 = arith.constant 65 : i32
      %mul3A_114 = vector.broadcast %mul3A_113 : i32 to vector<16xi32>
      %mul3A_115 = arith.muli %get3A_112, %mul3A_114 : vector<16xi32>
      %add3A_116 = arith.addi %mul3A_115, %broadcast_in_dim3A : vector<16xi32>
      %get3A_117 = arith.index_cast %add3A_65 : i32 to index
      %get3A_118 = arith.constant 96 : index
      %get3A_119 = tpu.vector_load %arg6[%get3A_117, %get3A_118] {strides = array<i32>} : memref<26x512xi32, #tpu.memory_space<vmem>>, vector<16xi32>,
      %mul3A_120 = arith.constant 65 : i32
      %mul3A_121 = vector.broadcast %mul3A_120 : i32 to vector<16xi32>
      %mul3A_122 = arith.muli %get3A_119, %mul3A_121 : vector<16xi32>
      %add3A_123 = arith.addi %mul3A_122, %broadcast_in_dim3A : vector<16xi32>
      %get3A_124 = arith.index_cast %add3A_65 : i32 to index
      %get3A_125 = arith.constant 112 : index
      %get3A_126 = tpu.vector_load %arg6[%get3A_124, %get3A_125] {strides = array<i32>} : memref<26x512xi32, #tpu.memory_space<vmem>>, vector<16xi32>,
      %mul3A_127 = arith.constant 65 : i32
      %mul3A_128 = vector.broadcast %mul3A_127 : i32 to vector<16xi32>
      %mul3A_129 = arith.muli %get3A_126, %mul3A_128 : vector<16xi32>
      %add3A_130 = arith.addi %mul3A_129, %broadcast_in_dim3A : vector<16xi32>
      %parallel_loop3A_131 = arith.constant 0 : i32
      %parallel_loop3A_132 = arith.constant 64 : i32
      %parallel_loop3A_133 = arith.constant 1 : i32
      scf.for %parallel_loop3A_425 = %parallel_loop3A_131 to %parallel_loop3A_132 step %parallel_loop3A_133  : i32 {
        %parallel_loop3A_426 = vector.broadcast %parallel_loop3A_425 : i32 to vector<16xi32>
        %parallel_loop3A_427 = arith.addi %add3A_109, %parallel_loop3A_426 : vector<16xi32>
        %parallel_loop3A_428 = tpu.vector_load_idx %arg5[%parallel_loop3A_427] : memref<86190xf32, #tpu.memory_space<vmem>>[vector<16xi32>], vector<16xf32>,
        %parallel_loop3A_429 = arith.constant 0 : i32
        %parallel_loop3A_430 = arith.index_cast %parallel_loop3A_429 : i32 to index
        %parallel_loop3A_431 = arith.index_cast %parallel_loop3A_425 : i32 to index
        %parallel_loop3A_432 = arith.constant 64 : index
        %parallel_loop3A_433 = tpu.vector_load %arg7[%parallel_loop3A_430, %parallel_loop3A_431, %parallel_loop3A_432] {strides = array<i32>} : memref<2x64x128xf32, #tpu.memory_space<vmem>>, vector<16xf32>,
        tpu.vector_store %arg7[%parallel_loop3A_430, %parallel_loop3A_431, %parallel_loop3A_432], %parallel_loop3A_428 {strides = array<i32>} : memref<2x64x128xf32, #tpu.memory_space<vmem>>, vector<16xf32>,
        %parallel_loop3A_434 = vector.broadcast %parallel_loop3A_425 : i32 to vector<16xi32>
        %parallel_loop3A_435 = arith.addi %add3A_116, %parallel_loop3A_434 : vector<16xi32>
        %parallel_loop3A_436 = tpu.vector_load_idx %arg5[%parallel_loop3A_435] : memref<86190xf32, #tpu.memory_space<vmem>>[vector<16xi32>], vector<16xf32>,
        %parallel_loop3A_437 = arith.constant 0 : i32
        %parallel_loop3A_438 = arith.index_cast %parallel_loop3A_437 : i32 to index
        %parallel_loop3A_439 = arith.index_cast %parallel_loop3A_425 : i32 to index
        %parallel_loop3A_440 = arith.constant 80 : index
        %parallel_loop3A_441 = tpu.vector_load %arg7[%parallel_loop3A_438, %parallel_loop3A_439, %parallel_loop3A_440] {strides = array<i32>} : memref<2x64x128xf32, #tpu.memory_space<vmem>>, vector<16xf32>,
        tpu.vector_store %arg7[%parallel_loop3A_438, %parallel_loop3A_439, %parallel_loop3A_440], %parallel_loop3A_436 {strides = array<i32>} : memref<2x64x128xf32, #tpu.memory_space<vmem>>, vector<16xf32>,
        %parallel_loop3A_442 = vector.broadcast %parallel_loop3A_425 : i32 to vector<16xi32>
        %parallel_loop3A_443 = arith.addi %add3A_123, %parallel_loop3A_442 : vector<16xi32>
        %parallel_loop3A_444 = tpu.vector_load_idx %arg5[%parallel_loop3A_443] : memref<86190xf32, #tpu.memory_space<vmem>>[vector<16xi32>], vector<16xf32>,
        %parallel_loop3A_445 = arith.constant 0 : i32
        %parallel_loop3A_446 = arith.index_cast %parallel_loop3A_445 : i32 to index
        %parallel_loop3A_447 = arith.index_cast %parallel_loop3A_425 : i32 to index
        %parallel_loop3A_448 = arith.constant 96 : index
        %parallel_loop3A_449 = tpu.vector_load %arg7[%parallel_loop3A_446, %parallel_loop3A_447, %parallel_loop3A_448] {strides = array<i32>} : memref<2x64x128xf32, #tpu.memory_space<vmem>>, vector<16xf32>,
        tpu.vector_store %arg7[%parallel_loop3A_446, %parallel_loop3A_447, %parallel_loop3A_448], %parallel_loop3A_444 {strides = array<i32>} : memref<2x64x128xf32, #tpu.memory_space<vmem>>, vector<16xf32>,
        %parallel_loop3A_450 = vector.broadcast %parallel_loop3A_425 : i32 to vector<16xi32>
        %parallel_loop3A_451 = arith.addi %add3A_130, %parallel_loop3A_450 : vector<16xi32>
        %parallel_loop3A_452 = tpu.vector_load_idx %arg5[%parallel_loop3A_451] : memref<86190xf32, #tpu.memory_space<vmem>>[vector<16xi32>], vector<16xf32>,
        %parallel_loop3A_453 = arith.constant 0 : i32
        %parallel_loop3A_454 = arith.index_cast %parallel_loop3A_453 : i32 to index
        %parallel_loop3A_455 = arith.index_cast %parallel_loop3A_425 : i32 to index
        %parallel_loop3A_456 = arith.constant 112 : index
        %parallel_loop3A_457 = tpu.vector_load %arg7[%parallel_loop3A_454, %parallel_loop3A_455, %parallel_loop3A_456] {strides = array<i32>} : memref<2x64x128xf32, #tpu.memory_space<vmem>>, vector<16xf32>,
        tpu.vector_store %arg7[%parallel_loop3A_454, %parallel_loop3A_455, %parallel_loop3A_456], %parallel_loop3A_452 {strides = array<i32>} : memref<2x64x128xf32, #tpu.memory_space<vmem>>, vector<16xf32>,
      } {sc.loop_unroll_factor = 4 : i64, sc.parallel_access}
      %add3A_134 = arith.constant 0 : i32
      %add3A_135 = arith.addi %mul3A_2, %add3A_134 : i32
      %dma_start3A_136 = arith.constant 0 : i32
      %dma_start3A_137 = arith.constant 0 : i32
      %dma_start3A_138 = arith.constant 0 : i32
      %dma_start3A_139 = tpu.memref_slice %arg7[%dma_start3A_136, %dma_start3A_137, %dma_start3A_138] : memref<2x64x128xf32, #tpu.memory_space<vmem>> -> memref<1x64x128xf32, #tpu.memory_space<vmem>>
      %dma_start3A_140 = tpu.memref_squeeze %dma_start3A_139 : memref<1x64x128xf32, #tpu.memory_space<vmem>> -> memref<64x128xf32, #tpu.memory_space<vmem>>
      %dma_start3A_141 = arith.constant 0 : i32
      %dma_start3A_142 = tpu.memref_slice %arg4[%add3A_65, %dma_start3A_141, %add3A_135] : memref<26x64x16384xf32, #tpu.memory_space<hbm>> -> memref<1x64x128xf32, #tpu.memory_space<hbm>>
      %dma_start3A_143 = tpu.memref_squeeze %dma_start3A_142 : memref<1x64x128xf32, #tpu.memory_space<hbm>> -> memref<64x128xf32, #tpu.memory_space<hbm>>
      %dma_start3A_144 = arith.constant 0 : i32
      %dma_start3A_145 = tpu.memref_slice %arg4[%add3A_65, %dma_start3A_144, %add3A_135] : memref<26x64x16384xf32, #tpu.memory_space<hbm>> -> memref<1x64x128xf32, #tpu.memory_space<hbm>>
      %dma_start3A_146 = tpu.memref_squeeze %dma_start3A_145 : memref<1x64x128xf32, #tpu.memory_space<hbm>> -> memref<64x128xf32, #tpu.memory_space<hbm>>
      %dma_start3A_147 = arith.constant 0 : i32
      %dma_start3A_148 = arith.constant 0 : i32
      %dma_start3A_149 = tpu.memref_slice %arg7[%dma_start3A_136, %dma_start3A_147, %dma_start3A_148] : memref<2x64x128xf32, #tpu.memory_space<vmem>> -> memref<1x64x128xf32, #tpu.memory_space<vmem>>
      %dma_start3A_150 = tpu.memref_squeeze %dma_start3A_149 : memref<1x64x128xf32, #tpu.memory_space<vmem>> -> memref<64x128xf32, #tpu.memory_space<vmem>>
      tpu.enqueue_dma source(%dma_start3A_150 : memref<64x128xf32, #tpu.memory_space<vmem>>) target(%dma_start3A_146 : memref<64x128xf32, #tpu.memory_space<hbm>>) target_semaphore(%arg8 : memref<!tpu.dma_semaphore, #tpu.memory_space<semaphore_mem>>)
      %gt3A_151 = arith.constant 0 : i32
      %gt3A_152 = arith.cmpi sgt, %add3A_65, %gt3A_151 : i32
      %convert_element_type3A_153 = arith.extui %gt3A_152 : i1 to i32
      %cond3A_154 = arith.constant 0 : i32
      %cond3A_155 = arith.cmpi ne, %convert_element_type3A_153, %cond3A_154 : i32
      scf.if %cond3A_155 {
        %dma_wait3A_425 = arith.constant 1 : i32
        %dma_wait3A_426 = arith.constant 0 : i32
        %dma_wait3A_427 = arith.constant 0 : i32
        %dma_wait3A_428 = arith.constant 0 : i32
        %dma_wait3A_429 = tpu.memref_slice %arg7[%dma_wait3A_425, %dma_wait3A_427, %dma_wait3A_428] : memref<2x64x128xf32, #tpu.memory_space<vmem>> -> memref<1x64x128xf32, #tpu.memory_space<vmem>>
        %dma_wait3A_430 = tpu.memref_squeeze %dma_wait3A_429 : memref<1x64x128xf32, #tpu.memory_space<vmem>> -> memref<64x128xf32, #tpu.memory_space<vmem>>
        %dma_wait3A_431 = arith.constant 0 : i32
        %dma_wait3A_432 = tpu.memref_slice %arg4[%dma_wait3A_426, %dma_wait3A_431, %mul3A_2] : memref<26x64x16384xf32, #tpu.memory_space<hbm>> -> memref<1x64x128xf32, #tpu.memory_space<hbm>>
        %dma_wait3A_433 = tpu.memref_squeeze %dma_wait3A_432 : memref<1x64x128xf32, #tpu.memory_space<hbm>> -> memref<64x128xf32, #tpu.memory_space<hbm>>
        %dma_wait3A_434 = arith.constant 0 : i32
        %dma_wait3A_435 = tpu.memref_slice %arg4[%dma_wait3A_426, %dma_wait3A_434, %mul3A_2] : memref<26x64x16384xf32, #tpu.memory_space<hbm>> -> memref<1x64x128xf32, #tpu.memory_space<hbm>>
        %dma_wait3A_436 = tpu.memref_squeeze %dma_wait3A_435 : memref<1x64x128xf32, #tpu.memory_space<hbm>> -> memref<64x128xf32, #tpu.memory_space<hbm>>
        %dma_wait3A_437 = arith.constant 0 : i32
        %dma_wait3A_438 = arith.constant 0 : i32
        %dma_wait3A_439 = tpu.memref_slice %arg7[%dma_wait3A_425, %dma_wait3A_437, %dma_wait3A_438] : memref<2x64x128xf32, #tpu.memory_space<vmem>> -> memref<1x64x128xf32, #tpu.memory_space<vmem>>
        %dma_wait3A_440 = tpu.memref_squeeze %dma_wait3A_439 : memref<1x64x128xf32, #tpu.memory_space<vmem>> -> memref<64x128xf32, #tpu.memory_space<vmem>>
        tpu.wait_dma2 semaphore(%arg9 : memref<!tpu.dma_semaphore, #tpu.memory_space<semaphore_mem>>) src(%dma_wait3A_440 : memref<64x128xf32, #tpu.memory_space<vmem>>) dst(%dma_wait3A_436 : memref<64x128xf32, #tpu.memory_space<hbm>>)
      } else {
      }
      %get3A_156 = arith.index_cast %add3A_65 : i32 to index
      %get3A_157 = arith.constant 128 : index
      %get3A_158 = tpu.vector_load %arg6[%get3A_156, %get3A_157] {strides = array<i32>} : memref<26x512xi32, #tpu.memory_space<vmem>>, vector<16xi32>,
      %mul3A_159 = arith.constant 65 : i32
      %mul3A_160 = vector.broadcast %mul3A_159 : i32 to vector<16xi32>
      %mul3A_161 = arith.muli %get3A_158, %mul3A_160 : vector<16xi32>
      %add3A_162 = arith.addi %mul3A_161, %broadcast_in_dim3A : vector<16xi32>
      %get3A_163 = arith.index_cast %add3A_65 : i32 to index
      %get3A_164 = arith.constant 144 : index
      %get3A_165 = tpu.vector_load %arg6[%get3A_163, %get3A_164] {strides = array<i32>} : memref<26x512xi32, #tpu.memory_space<vmem>>, vector<16xi32>,
      %mul3A_166 = arith.constant 65 : i32
      %mul3A_167 = vector.broadcast %mul3A_166 : i32 to vector<16xi32>
      %mul3A_168 = arith.muli %get3A_165, %mul3A_167 : vector<16xi32>
      %add3A_169 = arith.addi %mul3A_168, %broadcast_in_dim3A : vector<16xi32>
      %get3A_170 = arith.index_cast %add3A_65 : i32 to index
      %get3A_171 = arith.constant 160 : index
      %get3A_172 = tpu.vector_load %arg6[%get3A_170, %get3A_171] {strides = array<i32>} : memref<26x512xi32, #tpu.memory_space<vmem>>, vector<16xi32>,
      %mul3A_173 = arith.constant 65 : i32
      %mul3A_174 = vector.broadcast %mul3A_173 : i32 to vector<16xi32>
      %mul3A_175 = arith.muli %get3A_172, %mul3A_174 : vector<16xi32>
      %add3A_176 = arith.addi %mul3A_175, %broadcast_in_dim3A : vector<16xi32>
      %get3A_177 = arith.index_cast %add3A_65 : i32 to index
      %get3A_178 = arith.constant 176 : index
      %get3A_179 = tpu.vector_load %arg6[%get3A_177, %get3A_178] {strides = array<i32>} : memref<26x512xi32, #tpu.memory_space<vmem>>, vector<16xi32>,
      %mul3A_180 = arith.constant 65 : i32
      %mul3A_181 = vector.broadcast %mul3A_180 : i32 to vector<16xi32>
      %mul3A_182 = arith.muli %get3A_179, %mul3A_181 : vector<16xi32>
      %add3A_183 = arith.addi %mul3A_182, %broadcast_in_dim3A : vector<16xi32>
      %parallel_loop3A_184 = arith.constant 0 : i32
      %parallel_loop3A_185 = arith.constant 64 : i32
      %parallel_loop3A_186 = arith.constant 1 : i32
      scf.for %parallel_loop3A_425 = %parallel_loop3A_184 to %parallel_loop3A_185 step %parallel_loop3A_186  : i32 {
        %parallel_loop3A_426 = vector.broadcast %parallel_loop3A_425 : i32 to vector<16xi32>
        %parallel_loop3A_427 = arith.addi %add3A_162, %parallel_loop3A_426 : vector<16xi32>
        %parallel_loop3A_428 = tpu.vector_load_idx %arg5[%parallel_loop3A_427] : memref<86190xf32, #tpu.memory_space<vmem>>[vector<16xi32>], vector<16xf32>,
        %parallel_loop3A_429 = arith.constant 1 : i32
        %parallel_loop3A_430 = arith.index_cast %parallel_loop3A_429 : i32 to index
        %parallel_loop3A_431 = arith.index_cast %parallel_loop3A_425 : i32 to index
        %parallel_loop3A_432 = arith.constant 0 : index
        %parallel_loop3A_433 = tpu.vector_load %arg7[%parallel_loop3A_430, %parallel_loop3A_431, %parallel_loop3A_432] {strides = array<i32>} : memref<2x64x128xf32, #tpu.memory_space<vmem>>, vector<16xf32>,
        tpu.vector_store %arg7[%parallel_loop3A_430, %parallel_loop3A_431, %parallel_loop3A_432], %parallel_loop3A_428 {strides = array<i32>} : memref<2x64x128xf32, #tpu.memory_space<vmem>>, vector<16xf32>,
        %parallel_loop3A_434 = vector.broadcast %parallel_loop3A_425 : i32 to vector<16xi32>
        %parallel_loop3A_435 = arith.addi %add3A_169, %parallel_loop3A_434 : vector<16xi32>
        %parallel_loop3A_436 = tpu.vector_load_idx %arg5[%parallel_loop3A_435] : memref<86190xf32, #tpu.memory_space<vmem>>[vector<16xi32>], vector<16xf32>,
        %parallel_loop3A_437 = arith.constant 1 : i32
        %parallel_loop3A_438 = arith.index_cast %parallel_loop3A_437 : i32 to index
        %parallel_loop3A_439 = arith.index_cast %parallel_loop3A_425 : i32 to index
        %parallel_loop3A_440 = arith.constant 16 : index
        %parallel_loop3A_441 = tpu.vector_load %arg7[%parallel_loop3A_438, %parallel_loop3A_439, %parallel_loop3A_440] {strides = array<i32>} : memref<2x64x128xf32, #tpu.memory_space<vmem>>, vector<16xf32>,
        tpu.vector_store %arg7[%parallel_loop3A_438, %parallel_loop3A_439, %parallel_loop3A_440], %parallel_loop3A_436 {strides = array<i32>} : memref<2x64x128xf32, #tpu.memory_space<vmem>>, vector<16xf32>,
        %parallel_loop3A_442 = vector.broadcast %parallel_loop3A_425 : i32 to vector<16xi32>
        %parallel_loop3A_443 = arith.addi %add3A_176, %parallel_loop3A_442 : vector<16xi32>
        %parallel_loop3A_444 = tpu.vector_load_idx %arg5[%parallel_loop3A_443] : memref<86190xf32, #tpu.memory_space<vmem>>[vector<16xi32>], vector<16xf32>,
        %parallel_loop3A_445 = arith.constant 1 : i32
        %parallel_loop3A_446 = arith.index_cast %parallel_loop3A_445 : i32 to index
        %parallel_loop3A_447 = arith.index_cast %parallel_loop3A_425 : i32 to index
        %parallel_loop3A_448 = arith.constant 32 : index
        %parallel_loop3A_449 = tpu.vector_load %arg7[%parallel_loop3A_446, %parallel_loop3A_447, %parallel_loop3A_448] {strides = array<i32>} : memref<2x64x128xf32, #tpu.memory_space<vmem>>, vector<16xf32>,
        tpu.vector_store %arg7[%parallel_loop3A_446, %parallel_loop3A_447, %parallel_loop3A_448], %parallel_loop3A_444 {strides = array<i32>} : memref<2x64x128xf32, #tpu.memory_space<vmem>>, vector<16xf32>,
        %parallel_loop3A_450 = vector.broadcast %parallel_loop3A_425 : i32 to vector<16xi32>
        %parallel_loop3A_451 = arith.addi %add3A_183, %parallel_loop3A_450 : vector<16xi32>
        %parallel_loop3A_452 = tpu.vector_load_idx %arg5[%parallel_loop3A_451] : memref<86190xf32, #tpu.memory_space<vmem>>[vector<16xi32>], vector<16xf32>,
        %parallel_loop3A_453 = arith.constant 1 : i32
        %parallel_loop3A_454 = arith.index_cast %parallel_loop3A_453 : i32 to index
        %parallel_loop3A_455 = arith.index_cast %parallel_loop3A_425 : i32 to index
        %parallel_loop3A_456 = arith.constant 48 : index
        %parallel_loop3A_457 = tpu.vector_load %arg7[%parallel_loop3A_454, %parallel_loop3A_455, %parallel_loop3A_456] {strides = array<i32>} : memref<2x64x128xf32, #tpu.memory_space<vmem>>, vector<16xf32>,
        tpu.vector_store %arg7[%parallel_loop3A_454, %parallel_loop3A_455, %parallel_loop3A_456], %parallel_loop3A_452 {strides = array<i32>} : memref<2x64x128xf32, #tpu.memory_space<vmem>>, vector<16xf32>,
      } {sc.loop_unroll_factor = 4 : i64, sc.parallel_access}
      %get3A_187 = arith.index_cast %add3A_65 : i32 to index
      %get3A_188 = arith.constant 192 : index
      %get3A_189 = tpu.vector_load %arg6[%get3A_187, %get3A_188] {strides = array<i32>} : memref<26x512xi32, #tpu.memory_space<vmem>>, vector<16xi32>,
      %mul3A_190 = arith.constant 65 : i32
      %mul3A_191 = vector.broadcast %mul3A_190 : i32 to vector<16xi32>
      %mul3A_192 = arith.muli %get3A_189, %mul3A_191 : vector<16xi32>
      %add3A_193 = arith.addi %mul3A_192, %broadcast_in_dim3A : vector<16xi32>
      %get3A_194 = arith.index_cast %add3A_65 : i32 to index
      %get3A_195 = arith.constant 208 : index
      %get3A_196 = tpu.vector_load %arg6[%get3A_194, %get3A_195] {strides = array<i32>} : memref<26x512xi32, #tpu.memory_space<vmem>>, vector<16xi32>,
      %mul3A_197 = arith.constant 65 : i32
      %mul3A_198 = vector.broadcast %mul3A_197 : i32 to vector<16xi32>
      %mul3A_199 = arith.muli %get3A_196, %mul3A_198 : vector<16xi32>
      %add3A_200 = arith.addi %mul3A_199, %broadcast_in_dim3A : vector<16xi32>
      %get3A_201 = arith.index_cast %add3A_65 : i32 to index
      %get3A_202 = arith.constant 224 : index
      %get3A_203 = tpu.vector_load %arg6[%get3A_201, %get3A_202] {strides = array<i32>} : memref<26x512xi32, #tpu.memory_space<vmem>>, vector<16xi32>,
      %mul3A_204 = arith.constant 65 : i32
      %mul3A_205 = vector.broadcast %mul3A_204 : i32 to vector<16xi32>
      %mul3A_206 = arith.muli %get3A_203, %mul3A_205 : vector<16xi32>
      %add3A_207 = arith.addi %mul3A_206, %broadcast_in_dim3A : vector<16xi32>
      %get3A_208 = arith.index_cast %add3A_65 : i32 to index
      %get3A_209 = arith.constant 240 : index
      %get3A_210 = tpu.vector_load %arg6[%get3A_208, %get3A_209] {strides = array<i32>} : memref<26x512xi32, #tpu.memory_space<vmem>>, vector<16xi32>,
      %mul3A_211 = arith.constant 65 : i32
      %mul3A_212 = vector.broadcast %mul3A_211 : i32 to vector<16xi32>
      %mul3A_213 = arith.muli %get3A_210, %mul3A_212 : vector<16xi32>
      %add3A_214 = arith.addi %mul3A_213, %broadcast_in_dim3A : vector<16xi32>
      %parallel_loop3A_215 = arith.constant 0 : i32
      %parallel_loop3A_216 = arith.constant 64 : i32
      %parallel_loop3A_217 = arith.constant 1 : i32
      scf.for %parallel_loop3A_425 = %parallel_loop3A_215 to %parallel_loop3A_216 step %parallel_loop3A_217  : i32 {
        %parallel_loop3A_426 = vector.broadcast %parallel_loop3A_425 : i32 to vector<16xi32>
        %parallel_loop3A_427 = arith.addi %add3A_193, %parallel_loop3A_426 : vector<16xi32>
        %parallel_loop3A_428 = tpu.vector_load_idx %arg5[%parallel_loop3A_427] : memref<86190xf32, #tpu.memory_space<vmem>>[vector<16xi32>], vector<16xf32>,
        %parallel_loop3A_429 = arith.constant 1 : i32
        %parallel_loop3A_430 = arith.index_cast %parallel_loop3A_429 : i32 to index
        %parallel_loop3A_431 = arith.index_cast %parallel_loop3A_425 : i32 to index
        %parallel_loop3A_432 = arith.constant 64 : index
        %parallel_loop3A_433 = tpu.vector_load %arg7[%parallel_loop3A_430, %parallel_loop3A_431, %parallel_loop3A_432] {strides = array<i32>} : memref<2x64x128xf32, #tpu.memory_space<vmem>>, vector<16xf32>,
        tpu.vector_store %arg7[%parallel_loop3A_430, %parallel_loop3A_431, %parallel_loop3A_432], %parallel_loop3A_428 {strides = array<i32>} : memref<2x64x128xf32, #tpu.memory_space<vmem>>, vector<16xf32>,
        %parallel_loop3A_434 = vector.broadcast %parallel_loop3A_425 : i32 to vector<16xi32>
        %parallel_loop3A_435 = arith.addi %add3A_200, %parallel_loop3A_434 : vector<16xi32>
        %parallel_loop3A_436 = tpu.vector_load_idx %arg5[%parallel_loop3A_435] : memref<86190xf32, #tpu.memory_space<vmem>>[vector<16xi32>], vector<16xf32>,
        %parallel_loop3A_437 = arith.constant 1 : i32
        %parallel_loop3A_438 = arith.index_cast %parallel_loop3A_437 : i32 to index
        %parallel_loop3A_439 = arith.index_cast %parallel_loop3A_425 : i32 to index
        %parallel_loop3A_440 = arith.constant 80 : index
        %parallel_loop3A_441 = tpu.vector_load %arg7[%parallel_loop3A_438, %parallel_loop3A_439, %parallel_loop3A_440] {strides = array<i32>} : memref<2x64x128xf32, #tpu.memory_space<vmem>>, vector<16xf32>,
        tpu.vector_store %arg7[%parallel_loop3A_438, %parallel_loop3A_439, %parallel_loop3A_440], %parallel_loop3A_436 {strides = array<i32>} : memref<2x64x128xf32, #tpu.memory_space<vmem>>, vector<16xf32>,
        %parallel_loop3A_442 = vector.broadcast %parallel_loop3A_425 : i32 to vector<16xi32>
        %parallel_loop3A_443 = arith.addi %add3A_207, %parallel_loop3A_442 : vector<16xi32>
        %parallel_loop3A_444 = tpu.vector_load_idx %arg5[%parallel_loop3A_443] : memref<86190xf32, #tpu.memory_space<vmem>>[vector<16xi32>], vector<16xf32>,
        %parallel_loop3A_445 = arith.constant 1 : i32
        %parallel_loop3A_446 = arith.index_cast %parallel_loop3A_445 : i32 to index
        %parallel_loop3A_447 = arith.index_cast %parallel_loop3A_425 : i32 to index
        %parallel_loop3A_448 = arith.constant 96 : index
        %parallel_loop3A_449 = tpu.vector_load %arg7[%parallel_loop3A_446, %parallel_loop3A_447, %parallel_loop3A_448] {strides = array<i32>} : memref<2x64x128xf32, #tpu.memory_space<vmem>>, vector<16xf32>,
        tpu.vector_store %arg7[%parallel_loop3A_446, %parallel_loop3A_447, %parallel_loop3A_448], %parallel_loop3A_444 {strides = array<i32>} : memref<2x64x128xf32, #tpu.memory_space<vmem>>, vector<16xf32>,
        %parallel_loop3A_450 = vector.broadcast %parallel_loop3A_425 : i32 to vector<16xi32>
        %parallel_loop3A_451 = arith.addi %add3A_214, %parallel_loop3A_450 : vector<16xi32>
        %parallel_loop3A_452 = tpu.vector_load_idx %arg5[%parallel_loop3A_451] : memref<86190xf32, #tpu.memory_space<vmem>>[vector<16xi32>], vector<16xf32>,
        %parallel_loop3A_453 = arith.constant 1 : i32
        %parallel_loop3A_454 = arith.index_cast %parallel_loop3A_453 : i32 to index
        %parallel_loop3A_455 = arith.index_cast %parallel_loop3A_425 : i32 to index
        %parallel_loop3A_456 = arith.constant 112 : index
        %parallel_loop3A_457 = tpu.vector_load %arg7[%parallel_loop3A_454, %parallel_loop3A_455, %parallel_loop3A_456] {strides = array<i32>} : memref<2x64x128xf32, #tpu.memory_space<vmem>>, vector<16xf32>,
        tpu.vector_store %arg7[%parallel_loop3A_454, %parallel_loop3A_455, %parallel_loop3A_456], %parallel_loop3A_452 {strides = array<i32>} : memref<2x64x128xf32, #tpu.memory_space<vmem>>, vector<16xf32>,
      } {sc.loop_unroll_factor = 4 : i64, sc.parallel_access}
      %add3A_218 = arith.constant 128 : i32
      %add3A_219 = arith.addi %mul3A_2, %add3A_218 : i32
      %dma_start3A_220 = arith.constant 1 : i32
      %dma_start3A_221 = arith.constant 0 : i32
      %dma_start3A_222 = arith.constant 0 : i32
      %dma_start3A_223 = tpu.memref_slice %arg7[%dma_start3A_220, %dma_start3A_221, %dma_start3A_222] : memref<2x64x128xf32, #tpu.memory_space<vmem>> -> memref<1x64x128xf32, #tpu.memory_space<vmem>>
      %dma_start3A_224 = tpu.memref_squeeze %dma_start3A_223 : memref<1x64x128xf32, #tpu.memory_space<vmem>> -> memref<64x128xf32, #tpu.memory_space<vmem>>
      %dma_start3A_225 = arith.constant 0 : i32
      %dma_start3A_226 = tpu.memref_slice %arg4[%add3A_65, %dma_start3A_225, %add3A_219] : memref<26x64x16384xf32, #tpu.memory_space<hbm>> -> memref<1x64x128xf32, #tpu.memory_space<hbm>>
      %dma_start3A_227 = tpu.memref_squeeze %dma_start3A_226 : memref<1x64x128xf32, #tpu.memory_space<hbm>> -> memref<64x128xf32, #tpu.memory_space<hbm>>
      %dma_start3A_228 = arith.constant 0 : i32
      %dma_start3A_229 = tpu.memref_slice %arg4[%add3A_65, %dma_start3A_228, %add3A_219] : memref<26x64x16384xf32, #tpu.memory_space<hbm>> -> memref<1x64x128xf32, #tpu.memory_space<hbm>>
      %dma_start3A_230 = tpu.memref_squeeze %dma_start3A_229 : memref<1x64x128xf32, #tpu.memory_space<hbm>> -> memref<64x128xf32, #tpu.memory_space<hbm>>
      %dma_start3A_231 = arith.constant 0 : i32
      %dma_start3A_232 = arith.constant 0 : i32
      %dma_start3A_233 = tpu.memref_slice %arg7[%dma_start3A_220, %dma_start3A_231, %dma_start3A_232] : memref<2x64x128xf32, #tpu.memory_space<vmem>> -> memref<1x64x128xf32, #tpu.memory_space<vmem>>
      %dma_start3A_234 = tpu.memref_squeeze %dma_start3A_233 : memref<1x64x128xf32, #tpu.memory_space<vmem>> -> memref<64x128xf32, #tpu.memory_space<vmem>>
      tpu.enqueue_dma source(%dma_start3A_234 : memref<64x128xf32, #tpu.memory_space<vmem>>) target(%dma_start3A_230 : memref<64x128xf32, #tpu.memory_space<hbm>>) target_semaphore(%arg9 : memref<!tpu.dma_semaphore, #tpu.memory_space<semaphore_mem>>)
      %dma_wait3A_235 = arith.constant 0 : i32
      %dma_wait3A_236 = arith.constant 0 : i32
      %dma_wait3A_237 = arith.constant 0 : i32
      %dma_wait3A_238 = arith.constant 0 : i32
      %dma_wait3A_239 = tpu.memref_slice %arg7[%dma_wait3A_235, %dma_wait3A_237, %dma_wait3A_238] : memref<2x64x128xf32, #tpu.memory_space<vmem>> -> memref<1x64x128xf32, #tpu.memory_space<vmem>>
      %dma_wait3A_240 = tpu.memref_squeeze %dma_wait3A_239 : memref<1x64x128xf32, #tpu.memory_space<vmem>> -> memref<64x128xf32, #tpu.memory_space<vmem>>
      %dma_wait3A_241 = arith.constant 0 : i32
      %dma_wait3A_242 = tpu.memref_slice %arg4[%dma_wait3A_236, %dma_wait3A_241, %mul3A_2] : memref<26x64x16384xf32, #tpu.memory_space<hbm>> -> memref<1x64x128xf32, #tpu.memory_space<hbm>>
      %dma_wait3A_243 = tpu.memref_squeeze %dma_wait3A_242 : memref<1x64x128xf32, #tpu.memory_space<hbm>> -> memref<64x128xf32, #tpu.memory_space<hbm>>
      %dma_wait3A_244 = arith.constant 0 : i32
      %dma_wait3A_245 = tpu.memref_slice %arg4[%dma_wait3A_236, %dma_wait3A_244, %mul3A_2] : memref<26x64x16384xf32, #tpu.memory_space<hbm>> -> memref<1x64x128xf32, #tpu.memory_space<hbm>>
      %dma_wait3A_246 = tpu.memref_squeeze %dma_wait3A_245 : memref<1x64x128xf32, #tpu.memory_space<hbm>> -> memref<64x128xf32, #tpu.memory_space<hbm>>
      %dma_wait3A_247 = arith.constant 0 : i32
      %dma_wait3A_248 = arith.constant 0 : i32
      %dma_wait3A_249 = tpu.memref_slice %arg7[%dma_wait3A_235, %dma_wait3A_247, %dma_wait3A_248] : memref<2x64x128xf32, #tpu.memory_space<vmem>> -> memref<1x64x128xf32, #tpu.memory_space<vmem>>
      %dma_wait3A_250 = tpu.memref_squeeze %dma_wait3A_249 : memref<1x64x128xf32, #tpu.memory_space<vmem>> -> memref<64x128xf32, #tpu.memory_space<vmem>>
      tpu.wait_dma2 semaphore(%arg8 : memref<!tpu.dma_semaphore, #tpu.memory_space<semaphore_mem>>) src(%dma_wait3A_250 : memref<64x128xf32, #tpu.memory_space<vmem>>) dst(%dma_wait3A_246 : memref<64x128xf32, #tpu.memory_space<hbm>>)
      %get3A_251 = arith.index_cast %add3A_65 : i32 to index
      %get3A_252 = arith.constant 256 : index
      %get3A_253 = tpu.vector_load %arg6[%get3A_251, %get3A_252] {strides = array<i32>} : memref<26x512xi32, #tpu.memory_space<vmem>>, vector<16xi32>,
      %mul3A_254 = arith.constant 65 : i32
      %mul3A_255 = vector.broadcast %mul3A_254 : i32 to vector<16xi32>
      %mul3A_256 = arith.muli %get3A_253, %mul3A_255 : vector<16xi32>
      %add3A_257 = arith.addi %mul3A_256, %broadcast_in_dim3A : vector<16xi32>
      %get3A_258 = arith.index_cast %add3A_65 : i32 to index
      %get3A_259 = arith.constant 272 : index
      %get3A_260 = tpu.vector_load %arg6[%get3A_258, %get3A_259] {strides = array<i32>} : memref<26x512xi32, #tpu.memory_space<vmem>>, vector<16xi32>,
      %mul3A_261 = arith.constant 65 : i32
      %mul3A_262 = vector.broadcast %mul3A_261 : i32 to vector<16xi32>
      %mul3A_263 = arith.muli %get3A_260, %mul3A_262 : vector<16xi32>
      %add3A_264 = arith.addi %mul3A_263, %broadcast_in_dim3A : vector<16xi32>
      %get3A_265 = arith.index_cast %add3A_65 : i32 to index
      %get3A_266 = arith.constant 288 : index
      %get3A_267 = tpu.vector_load %arg6[%get3A_265, %get3A_266] {strides = array<i32>} : memref<26x512xi32, #tpu.memory_space<vmem>>, vector<16xi32>,
      %mul3A_268 = arith.constant 65 : i32
      %mul3A_269 = vector.broadcast %mul3A_268 : i32 to vector<16xi32>
      %mul3A_270 = arith.muli %get3A_267, %mul3A_269 : vector<16xi32>
      %add3A_271 = arith.addi %mul3A_270, %broadcast_in_dim3A : vector<16xi32>
      %get3A_272 = arith.index_cast %add3A_65 : i32 to index
      %get3A_273 = arith.constant 304 : index
      %get3A_274 = tpu.vector_load %arg6[%get3A_272, %get3A_273] {strides = array<i32>} : memref<26x512xi32, #tpu.memory_space<vmem>>, vector<16xi32>,
      %mul3A_275 = arith.constant 65 : i32
      %mul3A_276 = vector.broadcast %mul3A_275 : i32 to vector<16xi32>
      %mul3A_277 = arith.muli %get3A_274, %mul3A_276 : vector<16xi32>
      %add3A_278 = arith.addi %mul3A_277, %broadcast_in_dim3A : vector<16xi32>
      %parallel_loop3A_279 = arith.constant 0 : i32
      %parallel_loop3A_280 = arith.constant 64 : i32
      %parallel_loop3A_281 = arith.constant 1 : i32
      scf.for %parallel_loop3A_425 = %parallel_loop3A_279 to %parallel_loop3A_280 step %parallel_loop3A_281  : i32 {
        %parallel_loop3A_426 = vector.broadcast %parallel_loop3A_425 : i32 to vector<16xi32>
        %parallel_loop3A_427 = arith.addi %add3A_257, %parallel_loop3A_426 : vector<16xi32>
        %parallel_loop3A_428 = tpu.vector_load_idx %arg5[%parallel_loop3A_427] : memref<86190xf32, #tpu.memory_space<vmem>>[vector<16xi32>], vector<16xf32>,
        %parallel_loop3A_429 = arith.constant 0 : i32
        %parallel_loop3A_430 = arith.index_cast %parallel_loop3A_429 : i32 to index
        %parallel_loop3A_431 = arith.index_cast %parallel_loop3A_425 : i32 to index
        %parallel_loop3A_432 = arith.constant 0 : index
        %parallel_loop3A_433 = tpu.vector_load %arg7[%parallel_loop3A_430, %parallel_loop3A_431, %parallel_loop3A_432] {strides = array<i32>} : memref<2x64x128xf32, #tpu.memory_space<vmem>>, vector<16xf32>,
        tpu.vector_store %arg7[%parallel_loop3A_430, %parallel_loop3A_431, %parallel_loop3A_432], %parallel_loop3A_428 {strides = array<i32>} : memref<2x64x128xf32, #tpu.memory_space<vmem>>, vector<16xf32>,
        %parallel_loop3A_434 = vector.broadcast %parallel_loop3A_425 : i32 to vector<16xi32>
        %parallel_loop3A_435 = arith.addi %add3A_264, %parallel_loop3A_434 : vector<16xi32>
        %parallel_loop3A_436 = tpu.vector_load_idx %arg5[%parallel_loop3A_435] : memref<86190xf32, #tpu.memory_space<vmem>>[vector<16xi32>], vector<16xf32>,
        %parallel_loop3A_437 = arith.constant 0 : i32
        %parallel_loop3A_438 = arith.index_cast %parallel_loop3A_437 : i32 to index
        %parallel_loop3A_439 = arith.index_cast %parallel_loop3A_425 : i32 to index
        %parallel_loop3A_440 = arith.constant 16 : index
        %parallel_loop3A_441 = tpu.vector_load %arg7[%parallel_loop3A_438, %parallel_loop3A_439, %parallel_loop3A_440] {strides = array<i32>} : memref<2x64x128xf32, #tpu.memory_space<vmem>>, vector<16xf32>,
        tpu.vector_store %arg7[%parallel_loop3A_438, %parallel_loop3A_439, %parallel_loop3A_440], %parallel_loop3A_436 {strides = array<i32>} : memref<2x64x128xf32, #tpu.memory_space<vmem>>, vector<16xf32>,
        %parallel_loop3A_442 = vector.broadcast %parallel_loop3A_425 : i32 to vector<16xi32>
        %parallel_loop3A_443 = arith.addi %add3A_271, %parallel_loop3A_442 : vector<16xi32>
        %parallel_loop3A_444 = tpu.vector_load_idx %arg5[%parallel_loop3A_443] : memref<86190xf32, #tpu.memory_space<vmem>>[vector<16xi32>], vector<16xf32>,
        %parallel_loop3A_445 = arith.constant 0 : i32
        %parallel_loop3A_446 = arith.index_cast %parallel_loop3A_445 : i32 to index
        %parallel_loop3A_447 = arith.index_cast %parallel_loop3A_425 : i32 to index
        %parallel_loop3A_448 = arith.constant 32 : index
        %parallel_loop3A_449 = tpu.vector_load %arg7[%parallel_loop3A_446, %parallel_loop3A_447, %parallel_loop3A_448] {strides = array<i32>} : memref<2x64x128xf32, #tpu.memory_space<vmem>>, vector<16xf32>,
        tpu.vector_store %arg7[%parallel_loop3A_446, %parallel_loop3A_447, %parallel_loop3A_448], %parallel_loop3A_444 {strides = array<i32>} : memref<2x64x128xf32, #tpu.memory_space<vmem>>, vector<16xf32>,
        %parallel_loop3A_450 = vector.broadcast %parallel_loop3A_425 : i32 to vector<16xi32>
        %parallel_loop3A_451 = arith.addi %add3A_278, %parallel_loop3A_450 : vector<16xi32>
        %parallel_loop3A_452 = tpu.vector_load_idx %arg5[%parallel_loop3A_451] : memref<86190xf32, #tpu.memory_space<vmem>>[vector<16xi32>], vector<16xf32>,
        %parallel_loop3A_453 = arith.constant 0 : i32
        %parallel_loop3A_454 = arith.index_cast %parallel_loop3A_453 : i32 to index
        %parallel_loop3A_455 = arith.index_cast %parallel_loop3A_425 : i32 to index
        %parallel_loop3A_456 = arith.constant 48 : index
        %parallel_loop3A_457 = tpu.vector_load %arg7[%parallel_loop3A_454, %parallel_loop3A_455, %parallel_loop3A_456] {strides = array<i32>} : memref<2x64x128xf32, #tpu.memory_space<vmem>>, vector<16xf32>,
        tpu.vector_store %arg7[%parallel_loop3A_454, %parallel_loop3A_455, %parallel_loop3A_456], %parallel_loop3A_452 {strides = array<i32>} : memref<2x64x128xf32, #tpu.memory_space<vmem>>, vector<16xf32>,
      } {sc.loop_unroll_factor = 4 : i64, sc.parallel_access}
      %get3A_282 = arith.index_cast %add3A_65 : i32 to index
      %get3A_283 = arith.constant 320 : index
      %get3A_284 = tpu.vector_load %arg6[%get3A_282, %get3A_283] {strides = array<i32>} : memref<26x512xi32, #tpu.memory_space<vmem>>, vector<16xi32>,
      %mul3A_285 = arith.constant 65 : i32
      %mul3A_286 = vector.broadcast %mul3A_285 : i32 to vector<16xi32>
      %mul3A_287 = arith.muli %get3A_284, %mul3A_286 : vector<16xi32>
      %add3A_288 = arith.addi %mul3A_287, %broadcast_in_dim3A : vector<16xi32>
      %get3A_289 = arith.index_cast %add3A_65 : i32 to index
      %get3A_290 = arith.constant 336 : index
      %get3A_291 = tpu.vector_load %arg6[%get3A_289, %get3A_290] {strides = array<i32>} : memref<26x512xi32, #tpu.memory_space<vmem>>, vector<16xi32>,
      %mul3A_292 = arith.constant 65 : i32
      %mul3A_293 = vector.broadcast %mul3A_292 : i32 to vector<16xi32>
      %mul3A_294 = arith.muli %get3A_291, %mul3A_293 : vector<16xi32>
      %add3A_295 = arith.addi %mul3A_294, %broadcast_in_dim3A : vector<16xi32>
      %get3A_296 = arith.index_cast %add3A_65 : i32 to index
      %get3A_297 = arith.constant 352 : index
      %get3A_298 = tpu.vector_load %arg6[%get3A_296, %get3A_297] {strides = array<i32>} : memref<26x512xi32, #tpu.memory_space<vmem>>, vector<16xi32>,
      %mul3A_299 = arith.constant 65 : i32
      %mul3A_300 = vector.broadcast %mul3A_299 : i32 to vector<16xi32>
      %mul3A_301 = arith.muli %get3A_298, %mul3A_300 : vector<16xi32>
      %add3A_302 = arith.addi %mul3A_301, %broadcast_in_dim3A : vector<16xi32>
      %get3A_303 = arith.index_cast %add3A_65 : i32 to index
      %get3A_304 = arith.constant 368 : index
      %get3A_305 = tpu.vector_load %arg6[%get3A_303, %get3A_304] {strides = array<i32>} : memref<26x512xi32, #tpu.memory_space<vmem>>, vector<16xi32>,
      %mul3A_306 = arith.constant 65 : i32
      %mul3A_307 = vector.broadcast %mul3A_306 : i32 to vector<16xi32>
      %mul3A_308 = arith.muli %get3A_305, %mul3A_307 : vector<16xi32>
      %add3A_309 = arith.addi %mul3A_308, %broadcast_in_dim3A : vector<16xi32>
      %parallel_loop3A_310 = arith.constant 0 : i32
      %parallel_loop3A_311 = arith.constant 64 : i32
      %parallel_loop3A_312 = arith.constant 1 : i32
      scf.for %parallel_loop3A_425 = %parallel_loop3A_310 to %parallel_loop3A_311 step %parallel_loop3A_312  : i32 {
        %parallel_loop3A_426 = vector.broadcast %parallel_loop3A_425 : i32 to vector<16xi32>
        %parallel_loop3A_427 = arith.addi %add3A_288, %parallel_loop3A_426 : vector<16xi32>
        %parallel_loop3A_428 = tpu.vector_load_idx %arg5[%parallel_loop3A_427] : memref<86190xf32, #tpu.memory_space<vmem>>[vector<16xi32>], vector<16xf32>,
        %parallel_loop3A_429 = arith.constant 0 : i32
        %parallel_loop3A_430 = arith.index_cast %parallel_loop3A_429 : i32 to index
        %parallel_loop3A_431 = arith.index_cast %parallel_loop3A_425 : i32 to index
        %parallel_loop3A_432 = arith.constant 64 : index
        %parallel_loop3A_433 = tpu.vector_load %arg7[%parallel_loop3A_430, %parallel_loop3A_431, %parallel_loop3A_432] {strides = array<i32>} : memref<2x64x128xf32, #tpu.memory_space<vmem>>, vector<16xf32>,
        tpu.vector_store %arg7[%parallel_loop3A_430, %parallel_loop3A_431, %parallel_loop3A_432], %parallel_loop3A_428 {strides = array<i32>} : memref<2x64x128xf32, #tpu.memory_space<vmem>>, vector<16xf32>,
        %parallel_loop3A_434 = vector.broadcast %parallel_loop3A_425 : i32 to vector<16xi32>
        %parallel_loop3A_435 = arith.addi %add3A_295, %parallel_loop3A_434 : vector<16xi32>
        %parallel_loop3A_436 = tpu.vector_load_idx %arg5[%parallel_loop3A_435] : memref<86190xf32, #tpu.memory_space<vmem>>[vector<16xi32>], vector<16xf32>,
        %parallel_loop3A_437 = arith.constant 0 : i32
        %parallel_loop3A_438 = arith.index_cast %parallel_loop3A_437 : i32 to index
        %parallel_loop3A_439 = arith.index_cast %parallel_loop3A_425 : i32 to index
        %parallel_loop3A_440 = arith.constant 80 : index
        %parallel_loop3A_441 = tpu.vector_load %arg7[%parallel_loop3A_438, %parallel_loop3A_439, %parallel_loop3A_440] {strides = array<i32>} : memref<2x64x128xf32, #tpu.memory_space<vmem>>, vector<16xf32>,
        tpu.vector_store %arg7[%parallel_loop3A_438, %parallel_loop3A_439, %parallel_loop3A_440], %parallel_loop3A_436 {strides = array<i32>} : memref<2x64x128xf32, #tpu.memory_space<vmem>>, vector<16xf32>,
        %parallel_loop3A_442 = vector.broadcast %parallel_loop3A_425 : i32 to vector<16xi32>
        %parallel_loop3A_443 = arith.addi %add3A_302, %parallel_loop3A_442 : vector<16xi32>
        %parallel_loop3A_444 = tpu.vector_load_idx %arg5[%parallel_loop3A_443] : memref<86190xf32, #tpu.memory_space<vmem>>[vector<16xi32>], vector<16xf32>,
        %parallel_loop3A_445 = arith.constant 0 : i32
        %parallel_loop3A_446 = arith.index_cast %parallel_loop3A_445 : i32 to index
        %parallel_loop3A_447 = arith.index_cast %parallel_loop3A_425 : i32 to index
        %parallel_loop3A_448 = arith.constant 96 : index
        %parallel_loop3A_449 = tpu.vector_load %arg7[%parallel_loop3A_446, %parallel_loop3A_447, %parallel_loop3A_448] {strides = array<i32>} : memref<2x64x128xf32, #tpu.memory_space<vmem>>, vector<16xf32>,
        tpu.vector_store %arg7[%parallel_loop3A_446, %parallel_loop3A_447, %parallel_loop3A_448], %parallel_loop3A_444 {strides = array<i32>} : memref<2x64x128xf32, #tpu.memory_space<vmem>>, vector<16xf32>,
        %parallel_loop3A_450 = vector.broadcast %parallel_loop3A_425 : i32 to vector<16xi32>
        %parallel_loop3A_451 = arith.addi %add3A_309, %parallel_loop3A_450 : vector<16xi32>
        %parallel_loop3A_452 = tpu.vector_load_idx %arg5[%parallel_loop3A_451] : memref<86190xf32, #tpu.memory_space<vmem>>[vector<16xi32>], vector<16xf32>,
        %parallel_loop3A_453 = arith.constant 0 : i32
        %parallel_loop3A_454 = arith.index_cast %parallel_loop3A_453 : i32 to index
        %parallel_loop3A_455 = arith.index_cast %parallel_loop3A_425 : i32 to index
        %parallel_loop3A_456 = arith.constant 112 : index
        %parallel_loop3A_457 = tpu.vector_load %arg7[%parallel_loop3A_454, %parallel_loop3A_455, %parallel_loop3A_456] {strides = array<i32>} : memref<2x64x128xf32, #tpu.memory_space<vmem>>, vector<16xf32>,
        tpu.vector_store %arg7[%parallel_loop3A_454, %parallel_loop3A_455, %parallel_loop3A_456], %parallel_loop3A_452 {strides = array<i32>} : memref<2x64x128xf32, #tpu.memory_space<vmem>>, vector<16xf32>,
      } {sc.loop_unroll_factor = 4 : i64, sc.parallel_access}
      %add3A_313 = arith.constant 256 : i32
      %add3A_314 = arith.addi %mul3A_2, %add3A_313 : i32
      %dma_start3A_315 = arith.constant 0 : i32
      %dma_start3A_316 = arith.constant 0 : i32
      %dma_start3A_317 = arith.constant 0 : i32
      %dma_start3A_318 = tpu.memref_slice %arg7[%dma_start3A_315, %dma_start3A_316, %dma_start3A_317] : memref<2x64x128xf32, #tpu.memory_space<vmem>> -> memref<1x64x128xf32, #tpu.memory_space<vmem>>
      %dma_start3A_319 = tpu.memref_squeeze %dma_start3A_318 : memref<1x64x128xf32, #tpu.memory_space<vmem>> -> memref<64x128xf32, #tpu.memory_space<vmem>>
      %dma_start3A_320 = arith.constant 0 : i32
      %dma_start3A_321 = tpu.memref_slice %arg4[%add3A_65, %dma_start3A_320, %add3A_314] : memref<26x64x16384xf32, #tpu.memory_space<hbm>> -> memref<1x64x128xf32, #tpu.memory_space<hbm>>
      %dma_start3A_322 = tpu.memref_squeeze %dma_start3A_321 : memref<1x64x128xf32, #tpu.memory_space<hbm>> -> memref<64x128xf32, #tpu.memory_space<hbm>>
      %dma_start3A_323 = arith.constant 0 : i32
      %dma_start3A_324 = tpu.memref_slice %arg4[%add3A_65, %dma_start3A_323, %add3A_314] : memref<26x64x16384xf32, #tpu.memory_space<hbm>> -> memref<1x64x128xf32, #tpu.memory_space<hbm>>
      %dma_start3A_325 = tpu.memref_squeeze %dma_start3A_324 : memref<1x64x128xf32, #tpu.memory_space<hbm>> -> memref<64x128xf32, #tpu.memory_space<hbm>>
      %dma_start3A_326 = arith.constant 0 : i32
      %dma_start3A_327 = arith.constant 0 : i32
      %dma_start3A_328 = tpu.memref_slice %arg7[%dma_start3A_315, %dma_start3A_326, %dma_start3A_327] : memref<2x64x128xf32, #tpu.memory_space<vmem>> -> memref<1x64x128xf32, #tpu.memory_space<vmem>>
      %dma_start3A_329 = tpu.memref_squeeze %dma_start3A_328 : memref<1x64x128xf32, #tpu.memory_space<vmem>> -> memref<64x128xf32, #tpu.memory_space<vmem>>
      tpu.enqueue_dma source(%dma_start3A_329 : memref<64x128xf32, #tpu.memory_space<vmem>>) target(%dma_start3A_325 : memref<64x128xf32, #tpu.memory_space<hbm>>) target_semaphore(%arg8 : memref<!tpu.dma_semaphore, #tpu.memory_space<semaphore_mem>>)
      %dma_wait3A_330 = arith.constant 1 : i32
      %dma_wait3A_331 = arith.constant 0 : i32
      %dma_wait3A_332 = arith.constant 0 : i32
      %dma_wait3A_333 = arith.constant 0 : i32
      %dma_wait3A_334 = tpu.memref_slice %arg7[%dma_wait3A_330, %dma_wait3A_332, %dma_wait3A_333] : memref<2x64x128xf32, #tpu.memory_space<vmem>> -> memref<1x64x128xf32, #tpu.memory_space<vmem>>
      %dma_wait3A_335 = tpu.memref_squeeze %dma_wait3A_334 : memref<1x64x128xf32, #tpu.memory_space<vmem>> -> memref<64x128xf32, #tpu.memory_space<vmem>>
      %dma_wait3A_336 = arith.constant 0 : i32
      %dma_wait3A_337 = tpu.memref_slice %arg4[%dma_wait3A_331, %dma_wait3A_336, %mul3A_2] : memref<26x64x16384xf32, #tpu.memory_space<hbm>> -> memref<1x64x128xf32, #tpu.memory_space<hbm>>
      %dma_wait3A_338 = tpu.memref_squeeze %dma_wait3A_337 : memref<1x64x128xf32, #tpu.memory_space<hbm>> -> memref<64x128xf32, #tpu.memory_space<hbm>>
      %dma_wait3A_339 = arith.constant 0 : i32
      %dma_wait3A_340 = tpu.memref_slice %arg4[%dma_wait3A_331, %dma_wait3A_339, %mul3A_2] : memref<26x64x16384xf32, #tpu.memory_space<hbm>> -> memref<1x64x128xf32, #tpu.memory_space<hbm>>
      %dma_wait3A_341 = tpu.memref_squeeze %dma_wait3A_340 : memref<1x64x128xf32, #tpu.memory_space<hbm>> -> memref<64x128xf32, #tpu.memory_space<hbm>>
      %dma_wait3A_342 = arith.constant 0 : i32
      %dma_wait3A_343 = arith.constant 0 : i32
      %dma_wait3A_344 = tpu.memref_slice %arg7[%dma_wait3A_330, %dma_wait3A_342, %dma_wait3A_343] : memref<2x64x128xf32, #tpu.memory_space<vmem>> -> memref<1x64x128xf32, #tpu.memory_space<vmem>>
      %dma_wait3A_345 = tpu.memref_squeeze %dma_wait3A_344 : memref<1x64x128xf32, #tpu.memory_space<vmem>> -> memref<64x128xf32, #tpu.memory_space<vmem>>
      tpu.wait_dma2 semaphore(%arg9 : memref<!tpu.dma_semaphore, #tpu.memory_space<semaphore_mem>>) src(%dma_wait3A_345 : memref<64x128xf32, #tpu.memory_space<vmem>>) dst(%dma_wait3A_341 : memref<64x128xf32, #tpu.memory_space<hbm>>)
      %get3A_346 = arith.index_cast %add3A_65 : i32 to index
      %get3A_347 = arith.constant 384 : index
      %get3A_348 = tpu.vector_load %arg6[%get3A_346, %get3A_347] {strides = array<i32>} : memref<26x512xi32, #tpu.memory_space<vmem>>, vector<16xi32>,
      %mul3A_349 = arith.constant 65 : i32
      %mul3A_350 = vector.broadcast %mul3A_349 : i32 to vector<16xi32>
      %mul3A_351 = arith.muli %get3A_348, %mul3A_350 : vector<16xi32>
      %add3A_352 = arith.addi %mul3A_351, %broadcast_in_dim3A : vector<16xi32>
      %get3A_353 = arith.index_cast %add3A_65 : i32 to index
      %get3A_354 = arith.constant 400 : index
      %get3A_355 = tpu.vector_load %arg6[%get3A_353, %get3A_354] {strides = array<i32>} : memref<26x512xi32, #tpu.memory_space<vmem>>, vector<16xi32>,
      %mul3A_356 = arith.constant 65 : i32
      %mul3A_357 = vector.broadcast %mul3A_356 : i32 to vector<16xi32>
      %mul3A_358 = arith.muli %get3A_355, %mul3A_357 : vector<16xi32>
      %add3A_359 = arith.addi %mul3A_358, %broadcast_in_dim3A : vector<16xi32>
      %get3A_360 = arith.index_cast %add3A_65 : i32 to index
      %get3A_361 = arith.constant 416 : index
      %get3A_362 = tpu.vector_load %arg6[%get3A_360, %get3A_361] {strides = array<i32>} : memref<26x512xi32, #tpu.memory_space<vmem>>, vector<16xi32>,
      %mul3A_363 = arith.constant 65 : i32
      %mul3A_364 = vector.broadcast %mul3A_363 : i32 to vector<16xi32>
      %mul3A_365 = arith.muli %get3A_362, %mul3A_364 : vector<16xi32>
      %add3A_366 = arith.addi %mul3A_365, %broadcast_in_dim3A : vector<16xi32>
      %get3A_367 = arith.index_cast %add3A_65 : i32 to index
      %get3A_368 = arith.constant 432 : index
      %get3A_369 = tpu.vector_load %arg6[%get3A_367, %get3A_368] {strides = array<i32>} : memref<26x512xi32, #tpu.memory_space<vmem>>, vector<16xi32>,
      %mul3A_370 = arith.constant 65 : i32
      %mul3A_371 = vector.broadcast %mul3A_370 : i32 to vector<16xi32>
      %mul3A_372 = arith.muli %get3A_369, %mul3A_371 : vector<16xi32>
      %add3A_373 = arith.addi %mul3A_372, %broadcast_in_dim3A : vector<16xi32>
      %parallel_loop3A_374 = arith.constant 0 : i32
      %parallel_loop3A_375 = arith.constant 64 : i32
      %parallel_loop3A_376 = arith.constant 1 : i32
      scf.for %parallel_loop3A_425 = %parallel_loop3A_374 to %parallel_loop3A_375 step %parallel_loop3A_376  : i32 {
        %parallel_loop3A_426 = vector.broadcast %parallel_loop3A_425 : i32 to vector<16xi32>
        %parallel_loop3A_427 = arith.addi %add3A_352, %parallel_loop3A_426 : vector<16xi32>
        %parallel_loop3A_428 = tpu.vector_load_idx %arg5[%parallel_loop3A_427] : memref<86190xf32, #tpu.memory_space<vmem>>[vector<16xi32>], vector<16xf32>,
        %parallel_loop3A_429 = arith.constant 1 : i32
        %parallel_loop3A_430 = arith.index_cast %parallel_loop3A_429 : i32 to index
        %parallel_loop3A_431 = arith.index_cast %parallel_loop3A_425 : i32 to index
        %parallel_loop3A_432 = arith.constant 0 : index
        %parallel_loop3A_433 = tpu.vector_load %arg7[%parallel_loop3A_430, %parallel_loop3A_431, %parallel_loop3A_432] {strides = array<i32>} : memref<2x64x128xf32, #tpu.memory_space<vmem>>, vector<16xf32>,
        tpu.vector_store %arg7[%parallel_loop3A_430, %parallel_loop3A_431, %parallel_loop3A_432], %parallel_loop3A_428 {strides = array<i32>} : memref<2x64x128xf32, #tpu.memory_space<vmem>>, vector<16xf32>,
        %parallel_loop3A_434 = vector.broadcast %parallel_loop3A_425 : i32 to vector<16xi32>
        %parallel_loop3A_435 = arith.addi %add3A_359, %parallel_loop3A_434 : vector<16xi32>
        %parallel_loop3A_436 = tpu.vector_load_idx %arg5[%parallel_loop3A_435] : memref<86190xf32, #tpu.memory_space<vmem>>[vector<16xi32>], vector<16xf32>,
        %parallel_loop3A_437 = arith.constant 1 : i32
        %parallel_loop3A_438 = arith.index_cast %parallel_loop3A_437 : i32 to index
        %parallel_loop3A_439 = arith.index_cast %parallel_loop3A_425 : i32 to index
        %parallel_loop3A_440 = arith.constant 16 : index
        %parallel_loop3A_441 = tpu.vector_load %arg7[%parallel_loop3A_438, %parallel_loop3A_439, %parallel_loop3A_440] {strides = array<i32>} : memref<2x64x128xf32, #tpu.memory_space<vmem>>, vector<16xf32>,
        tpu.vector_store %arg7[%parallel_loop3A_438, %parallel_loop3A_439, %parallel_loop3A_440], %parallel_loop3A_436 {strides = array<i32>} : memref<2x64x128xf32, #tpu.memory_space<vmem>>, vector<16xf32>,
        %parallel_loop3A_442 = vector.broadcast %parallel_loop3A_425 : i32 to vector<16xi32>
        %parallel_loop3A_443 = arith.addi %add3A_366, %parallel_loop3A_442 : vector<16xi32>
        %parallel_loop3A_444 = tpu.vector_load_idx %arg5[%parallel_loop3A_443] : memref<86190xf32, #tpu.memory_space<vmem>>[vector<16xi32>], vector<16xf32>,
        %parallel_loop3A_445 = arith.constant 1 : i32
        %parallel_loop3A_446 = arith.index_cast %parallel_loop3A_445 : i32 to index
        %parallel_loop3A_447 = arith.index_cast %parallel_loop3A_425 : i32 to index
        %parallel_loop3A_448 = arith.constant 32 : index
        %parallel_loop3A_449 = tpu.vector_load %arg7[%parallel_loop3A_446, %parallel_loop3A_447, %parallel_loop3A_448] {strides = array<i32>} : memref<2x64x128xf32, #tpu.memory_space<vmem>>, vector<16xf32>,
        tpu.vector_store %arg7[%parallel_loop3A_446, %parallel_loop3A_447, %parallel_loop3A_448], %parallel_loop3A_444 {strides = array<i32>} : memref<2x64x128xf32, #tpu.memory_space<vmem>>, vector<16xf32>,
        %parallel_loop3A_450 = vector.broadcast %parallel_loop3A_425 : i32 to vector<16xi32>
        %parallel_loop3A_451 = arith.addi %add3A_373, %parallel_loop3A_450 : vector<16xi32>
        %parallel_loop3A_452 = tpu.vector_load_idx %arg5[%parallel_loop3A_451] : memref<86190xf32, #tpu.memory_space<vmem>>[vector<16xi32>], vector<16xf32>,
        %parallel_loop3A_453 = arith.constant 1 : i32
        %parallel_loop3A_454 = arith.index_cast %parallel_loop3A_453 : i32 to index
        %parallel_loop3A_455 = arith.index_cast %parallel_loop3A_425 : i32 to index
        %parallel_loop3A_456 = arith.constant 48 : index
        %parallel_loop3A_457 = tpu.vector_load %arg7[%parallel_loop3A_454, %parallel_loop3A_455, %parallel_loop3A_456] {strides = array<i32>} : memref<2x64x128xf32, #tpu.memory_space<vmem>>, vector<16xf32>,
        tpu.vector_store %arg7[%parallel_loop3A_454, %parallel_loop3A_455, %parallel_loop3A_456], %parallel_loop3A_452 {strides = array<i32>} : memref<2x64x128xf32, #tpu.memory_space<vmem>>, vector<16xf32>,
      } {sc.loop_unroll_factor = 4 : i64, sc.parallel_access}
      %get3A_377 = arith.index_cast %add3A_65 : i32 to index
      %get3A_378 = arith.constant 448 : index
      %get3A_379 = tpu.vector_load %arg6[%get3A_377, %get3A_378] {strides = array<i32>} : memref<26x512xi32, #tpu.memory_space<vmem>>, vector<16xi32>,
      %mul3A_380 = arith.constant 65 : i32
      %mul3A_381 = vector.broadcast %mul3A_380 : i32 to vector<16xi32>
      %mul3A_382 = arith.muli %get3A_379, %mul3A_381 : vector<16xi32>
      %add3A_383 = arith.addi %mul3A_382, %broadcast_in_dim3A : vector<16xi32>
      %get3A_384 = arith.index_cast %add3A_65 : i32 to index
      %get3A_385 = arith.constant 464 : index
      %get3A_386 = tpu.vector_load %arg6[%get3A_384, %get3A_385] {strides = array<i32>} : memref<26x512xi32, #tpu.memory_space<vmem>>, vector<16xi32>,
      %mul3A_387 = arith.constant 65 : i32
      %mul3A_388 = vector.broadcast %mul3A_387 : i32 to vector<16xi32>
      %mul3A_389 = arith.muli %get3A_386, %mul3A_388 : vector<16xi32>
      %add3A_390 = arith.addi %mul3A_389, %broadcast_in_dim3A : vector<16xi32>
      %get3A_391 = arith.index_cast %add3A_65 : i32 to index
      %get3A_392 = arith.constant 480 : index
      %get3A_393 = tpu.vector_load %arg6[%get3A_391, %get3A_392] {strides = array<i32>} : memref<26x512xi32, #tpu.memory_space<vmem>>, vector<16xi32>,
      %mul3A_394 = arith.constant 65 : i32
      %mul3A_395 = vector.broadcast %mul3A_394 : i32 to vector<16xi32>
      %mul3A_396 = arith.muli %get3A_393, %mul3A_395 : vector<16xi32>
      %add3A_397 = arith.addi %mul3A_396, %broadcast_in_dim3A : vector<16xi32>
      %get3A_398 = arith.index_cast %add3A_65 : i32 to index
      %get3A_399 = arith.constant 496 : index
      %get3A_400 = tpu.vector_load %arg6[%get3A_398, %get3A_399] {strides = array<i32>} : memref<26x512xi32, #tpu.memory_space<vmem>>, vector<16xi32>,
      %mul3A_401 = arith.constant 65 : i32
      %mul3A_402 = vector.broadcast %mul3A_401 : i32 to vector<16xi32>
      %mul3A_403 = arith.muli %get3A_400, %mul3A_402 : vector<16xi32>
      %add3A_404 = arith.addi %mul3A_403, %broadcast_in_dim3A : vector<16xi32>
      %parallel_loop3A_405 = arith.constant 0 : i32
      %parallel_loop3A_406 = arith.constant 64 : i32
      %parallel_loop3A_407 = arith.constant 1 : i32
      scf.for %parallel_loop3A_425 = %parallel_loop3A_405 to %parallel_loop3A_406 step %parallel_loop3A_407  : i32 {
        %parallel_loop3A_426 = vector.broadcast %parallel_loop3A_425 : i32 to vector<16xi32>
        %parallel_loop3A_427 = arith.addi %add3A_383, %parallel_loop3A_426 : vector<16xi32>
        %parallel_loop3A_428 = tpu.vector_load_idx %arg5[%parallel_loop3A_427] : memref<86190xf32, #tpu.memory_space<vmem>>[vector<16xi32>], vector<16xf32>,
        %parallel_loop3A_429 = arith.constant 1 : i32
        %parallel_loop3A_430 = arith.index_cast %parallel_loop3A_429 : i32 to index
        %parallel_loop3A_431 = arith.index_cast %parallel_loop3A_425 : i32 to index
        %parallel_loop3A_432 = arith.constant 64 : index
        %parallel_loop3A_433 = tpu.vector_load %arg7[%parallel_loop3A_430, %parallel_loop3A_431, %parallel_loop3A_432] {strides = array<i32>} : memref<2x64x128xf32, #tpu.memory_space<vmem>>, vector<16xf32>,
        tpu.vector_store %arg7[%parallel_loop3A_430, %parallel_loop3A_431, %parallel_loop3A_432], %parallel_loop3A_428 {strides = array<i32>} : memref<2x64x128xf32, #tpu.memory_space<vmem>>, vector<16xf32>,
        %parallel_loop3A_434 = vector.broadcast %parallel_loop3A_425 : i32 to vector<16xi32>
        %parallel_loop3A_435 = arith.addi %add3A_390, %parallel_loop3A_434 : vector<16xi32>
        %parallel_loop3A_436 = tpu.vector_load_idx %arg5[%parallel_loop3A_435] : memref<86190xf32, #tpu.memory_space<vmem>>[vector<16xi32>], vector<16xf32>,
        %parallel_loop3A_437 = arith.constant 1 : i32
        %parallel_loop3A_438 = arith.index_cast %parallel_loop3A_437 : i32 to index
        %parallel_loop3A_439 = arith.index_cast %parallel_loop3A_425 : i32 to index
        %parallel_loop3A_440 = arith.constant 80 : index
        %parallel_loop3A_441 = tpu.vector_load %arg7[%parallel_loop3A_438, %parallel_loop3A_439, %parallel_loop3A_440] {strides = array<i32>} : memref<2x64x128xf32, #tpu.memory_space<vmem>>, vector<16xf32>,
        tpu.vector_store %arg7[%parallel_loop3A_438, %parallel_loop3A_439, %parallel_loop3A_440], %parallel_loop3A_436 {strides = array<i32>} : memref<2x64x128xf32, #tpu.memory_space<vmem>>, vector<16xf32>,
        %parallel_loop3A_442 = vector.broadcast %parallel_loop3A_425 : i32 to vector<16xi32>
        %parallel_loop3A_443 = arith.addi %add3A_397, %parallel_loop3A_442 : vector<16xi32>
        %parallel_loop3A_444 = tpu.vector_load_idx %arg5[%parallel_loop3A_443] : memref<86190xf32, #tpu.memory_space<vmem>>[vector<16xi32>], vector<16xf32>,
        %parallel_loop3A_445 = arith.constant 1 : i32
        %parallel_loop3A_446 = arith.index_cast %parallel_loop3A_445 : i32 to index
        %parallel_loop3A_447 = arith.index_cast %parallel_loop3A_425 : i32 to index
        %parallel_loop3A_448 = arith.constant 96 : index
        %parallel_loop3A_449 = tpu.vector_load %arg7[%parallel_loop3A_446, %parallel_loop3A_447, %parallel_loop3A_448] {strides = array<i32>} : memref<2x64x128xf32, #tpu.memory_space<vmem>>, vector<16xf32>,
        tpu.vector_store %arg7[%parallel_loop3A_446, %parallel_loop3A_447, %parallel_loop3A_448], %parallel_loop3A_444 {strides = array<i32>} : memref<2x64x128xf32, #tpu.memory_space<vmem>>, vector<16xf32>,
        %parallel_loop3A_450 = vector.broadcast %parallel_loop3A_425 : i32 to vector<16xi32>
        %parallel_loop3A_451 = arith.addi %add3A_404, %parallel_loop3A_450 : vector<16xi32>
        %parallel_loop3A_452 = tpu.vector_load_idx %arg5[%parallel_loop3A_451] : memref<86190xf32, #tpu.memory_space<vmem>>[vector<16xi32>], vector<16xf32>,
        %parallel_loop3A_453 = arith.constant 1 : i32
        %parallel_loop3A_454 = arith.index_cast %parallel_loop3A_453 : i32 to index
        %parallel_loop3A_455 = arith.index_cast %parallel_loop3A_425 : i32 to index
        %parallel_loop3A_456 = arith.constant 112 : index
        %parallel_loop3A_457 = tpu.vector_load %arg7[%parallel_loop3A_454, %parallel_loop3A_455, %parallel_loop3A_456] {strides = array<i32>} : memref<2x64x128xf32, #tpu.memory_space<vmem>>, vector<16xf32>,
        tpu.vector_store %arg7[%parallel_loop3A_454, %parallel_loop3A_455, %parallel_loop3A_456], %parallel_loop3A_452 {strides = array<i32>} : memref<2x64x128xf32, #tpu.memory_space<vmem>>, vector<16xf32>,
      } {sc.loop_unroll_factor = 4 : i64, sc.parallel_access}
      %add3A_408 = arith.constant 384 : i32
      %add3A_409 = arith.addi %mul3A_2, %add3A_408 : i32
      %dma_start3A_410 = arith.constant 1 : i32
      %dma_start3A_411 = arith.constant 0 : i32
      %dma_start3A_412 = arith.constant 0 : i32
      %dma_start3A_413 = tpu.memref_slice %arg7[%dma_start3A_410, %dma_start3A_411, %dma_start3A_412] : memref<2x64x128xf32, #tpu.memory_space<vmem>> -> memref<1x64x128xf32, #tpu.memory_space<vmem>>
      %dma_start3A_414 = tpu.memref_squeeze %dma_start3A_413 : memref<1x64x128xf32, #tpu.memory_space<vmem>> -> memref<64x128xf32, #tpu.memory_space<vmem>>
      %dma_start3A_415 = arith.constant 0 : i32
      %dma_start3A_416 = tpu.memref_slice %arg4[%add3A_65, %dma_start3A_415, %add3A_409] : memref<26x64x16384xf32, #tpu.memory_space<hbm>> -> memref<1x64x128xf32, #tpu.memory_space<hbm>>
      %dma_start3A_417 = tpu.memref_squeeze %dma_start3A_416 : memref<1x64x128xf32, #tpu.memory_space<hbm>> -> memref<64x128xf32, #tpu.memory_space<hbm>>
      %dma_start3A_418 = arith.constant 0 : i32
      %dma_start3A_419 = tpu.memref_slice %arg4[%add3A_65, %dma_start3A_418, %add3A_409] : memref<26x64x16384xf32, #tpu.memory_space<hbm>> -> memref<1x64x128xf32, #tpu.memory_space<hbm>>
      %dma_start3A_420 = tpu.memref_squeeze %dma_start3A_419 : memref<1x64x128xf32, #tpu.memory_space<hbm>> -> memref<64x128xf32, #tpu.memory_space<hbm>>
      %dma_start3A_421 = arith.constant 0 : i32
      %dma_start3A_422 = arith.constant 0 : i32
      %dma_start3A_423 = tpu.memref_slice %arg7[%dma_start3A_410, %dma_start3A_421, %dma_start3A_422] : memref<2x64x128xf32, #tpu.memory_space<vmem>> -> memref<1x64x128xf32, #tpu.memory_space<vmem>>
      %dma_start3A_424 = tpu.memref_squeeze %dma_start3A_423 : memref<1x64x128xf32, #tpu.memory_space<vmem>> -> memref<64x128xf32, #tpu.memory_space<vmem>>
      tpu.enqueue_dma source(%dma_start3A_424 : memref<64x128xf32, #tpu.memory_space<vmem>>) target(%dma_start3A_420 : memref<64x128xf32, #tpu.memory_space<hbm>>) target_semaphore(%arg9 : memref<!tpu.dma_semaphore, #tpu.memory_space<semaphore_mem>>)
    }
    %scan3A_28 = arith.constant 26 : i32
    %dma_wait3A_29 = arith.constant 0 : i32
    %dma_wait3A_30 = arith.constant 0 : i32
    %dma_wait3A_31 = arith.constant 0 : i32
    %dma_wait3A_32 = arith.constant 0 : i32
    %dma_wait3A_33 = tpu.memref_slice %arg7[%dma_wait3A_29, %dma_wait3A_31, %dma_wait3A_32] : memref<2x64x128xf32, #tpu.memory_space<vmem>> -> memref<1x64x128xf32, #tpu.memory_space<vmem>>
    %dma_wait3A_34 = tpu.memref_squeeze %dma_wait3A_33 : memref<1x64x128xf32, #tpu.memory_space<vmem>> -> memref<64x128xf32, #tpu.memory_space<vmem>>
    %dma_wait3A_35 = arith.constant 0 : i32
    %dma_wait3A_36 = tpu.memref_slice %arg4[%dma_wait3A_30, %dma_wait3A_35, %mul3A_2] : memref<26x64x16384xf32, #tpu.memory_space<hbm>> -> memref<1x64x128xf32, #tpu.memory_space<hbm>>
    %dma_wait3A_37 = tpu.memref_squeeze %dma_wait3A_36 : memref<1x64x128xf32, #tpu.memory_space<hbm>> -> memref<64x128xf32, #tpu.memory_space<hbm>>
    %dma_wait3A_38 = arith.constant 0 : i32
    %dma_wait3A_39 = tpu.memref_slice %arg4[%dma_wait3A_30, %dma_wait3A_38, %mul3A_2] : memref<26x64x16384xf32, #tpu.memory_space<hbm>> -> memref<1x64x128xf32, #tpu.memory_space<hbm>>
    %dma_wait3A_40 = tpu.memref_squeeze %dma_wait3A_39 : memref<1x64x128xf32, #tpu.memory_space<hbm>> -> memref<64x128xf32, #tpu.memory_space<hbm>>
    %dma_wait3A_41 = arith.constant 0 : i32
    %dma_wait3A_42 = arith.constant 0 : i32
    %dma_wait3A_43 = tpu.memref_slice %arg7[%dma_wait3A_29, %dma_wait3A_41, %dma_wait3A_42] : memref<2x64x128xf32, #tpu.memory_space<vmem>> -> memref<1x64x128xf32, #tpu.memory_space<vmem>>
    %dma_wait3A_44 = tpu.memref_squeeze %dma_wait3A_43 : memref<1x64x128xf32, #tpu.memory_space<vmem>> -> memref<64x128xf32, #tpu.memory_space<vmem>>
    tpu.wait_dma2 semaphore(%arg8 : memref<!tpu.dma_semaphore, #tpu.memory_space<semaphore_mem>>) src(%dma_wait3A_44 : memref<64x128xf32, #tpu.memory_space<vmem>>) dst(%dma_wait3A_40 : memref<64x128xf32, #tpu.memory_space<hbm>>)
    %dma_wait3A_45 = arith.constant 1 : i32
    %dma_wait3A_46 = arith.constant 0 : i32
    %dma_wait3A_47 = arith.constant 0 : i32
    %dma_wait3A_48 = arith.constant 0 : i32
    %dma_wait3A_49 = tpu.memref_slice %arg7[%dma_wait3A_45, %dma_wait3A_47, %dma_wait3A_48] : memref<2x64x128xf32, #tpu.memory_space<vmem>> -> memref<1x64x128xf32, #tpu.memory_space<vmem>>
    %dma_wait3A_50 = tpu.memref_squeeze %dma_wait3A_49 : memref<1x64x128xf32, #tpu.memory_space<vmem>> -> memref<64x128xf32, #tpu.memory_space<vmem>>
    %dma_wait3A_51 = arith.constant 0 : i32
    %dma_wait3A_52 = tpu.memref_slice %arg4[%dma_wait3A_46, %dma_wait3A_51, %mul3A_2] : memref<26x64x16384xf32, #tpu.memory_space<hbm>> -> memref<1x64x128xf32, #tpu.memory_space<hbm>>
    %dma_wait3A_53 = tpu.memref_squeeze %dma_wait3A_52 : memref<1x64x128xf32, #tpu.memory_space<hbm>> -> memref<64x128xf32, #tpu.memory_space<hbm>>
    %dma_wait3A_54 = arith.constant 0 : i32
    %dma_wait3A_55 = tpu.memref_slice %arg4[%dma_wait3A_46, %dma_wait3A_54, %mul3A_2] : memref<26x64x16384xf32, #tpu.memory_space<hbm>> -> memref<1x64x128xf32, #tpu.memory_space<hbm>>
    %dma_wait3A_56 = tpu.memref_squeeze %dma_wait3A_55 : memref<1x64x128xf32, #tpu.memory_space<hbm>> -> memref<64x128xf32, #tpu.memory_space<hbm>>
    %dma_wait3A_57 = arith.constant 0 : i32
    %dma_wait3A_58 = arith.constant 0 : i32
    %dma_wait3A_59 = tpu.memref_slice %arg7[%dma_wait3A_45, %dma_wait3A_57, %dma_wait3A_58] : memref<2x64x128xf32, #tpu.memory_space<vmem>> -> memref<1x64x128xf32, #tpu.memory_space<vmem>>
    %dma_wait3A_60 = tpu.memref_squeeze %dma_wait3A_59 : memref<1x64x128xf32, #tpu.memory_space<vmem>> -> memref<64x128xf32, #tpu.memory_space<vmem>>
    tpu.wait_dma2 semaphore(%arg9 : memref<!tpu.dma_semaphore, #tpu.memory_space<semaphore_mem>>) src(%dma_wait3A_60 : memref<64x128xf32, #tpu.memory_space<vmem>>) dst(%dma_wait3A_56 : memref<64x128xf32, #tpu.memory_space<hbm>>)
    return
  }
}

</mosaic_0001>

<sc_bundles>
// kernel: kernel.3.cloned.1.call-start
scs
__scs_entry_jumppad:
0x0: {  	(pc) =	sbr.rel $0x88, $3  }
0x1: {  	(tag) =	ssettag $0x0;
	lr =	simm.s32 $0x1  }
0x2: {  	[smem:$0x3F9F] =	sst lr;
	_ =	strace $0xD0000000  }
0x3: {  	_ = 	snop  }
0x4: {  	_ = 	snop  }
0x5: {  	_ = 	snop  }
0x6: {  	_ = 	snop  }
0x7: {  	_ = 	snop  }
__scs_overlays_trampoline_lowered:
0x8: {  	[smem:$0x3FAE] =	sst s0  }
0x9: {  	[smem:$0x3FAF] =	sst s1  }
0xa: {  	[smem:$0x3FB0] =	sst s2  }
0xb: {  	[smem:$0x3FB1] =	sst s3  }
0xc: {  	[smem:$0x3FB2] =	sst s4  }
0xd: {  	[smem:$0x3FB3] =	sst s5  }
0xe: {  	[smem:$0x3FB4] =	sst s6  }
0xf: {  	[smem:$0x3FB5] =	sst s7  }
0x10: {  	[smem:$0x3FB6] =	sst s8  }
0x11: {  	[smem:$0x3FB7] =	sst s9;
	s0 =	simm.s32 @!p0 $0x0  }
0x12: {  	s1 =	sld [smem:$0x3F9D];
	s0 =	simm.s32 @p0 $0x1  }
0x13: {  	[smem:$0x3FB8] =	sst s0;
	s0 =	simm.s32 @!p1 $0x0  }
0x14: {  	s2 =	sld [smem:$0x3F9C];
	s0 =	simm.s32 @p1 $0x1  }
0x15: {  	[smem:$0x3FB9] =	sst s0;
	s0 =	simm.s32 @!p2 $0x0  }
0x16: {  	s3 =	sld [smem:$0x3FDB];
	s0 =	simm.s32 @p2 $0x1  }
0x17: {  	s4 =	simm.s32 $0x1BF5;
	[smem:$0x3FBB] =	sst s0  }
0x18: {  	s0 =	sld [smem:$0x3F9E];
	_ =	swait.ge [sflag:s4], $0x0  }
0x19: {  	s7 =	sld [smem:$0x3F9F]  }
0x1a: {  	s8 =	sadd.s32 $0xFFFFE003, lr  }
0x1b: {  	s9 =	sadd.s32 $0xFFFFFEF7, lr;
	s5 =	simm.s32 $0xFFFFFFFF;
	p2 =	slt.u32 s8, $0xFFFFF086  }
0x1c: {  	p1 =	slt.u32 s9, $0xF7A;
	s5 =	simm.s32 @!p2 $0x0  }
0x1d: {  	s5 =	simm.s32 @p1 $0x1;
	p0 =	seq.s32 s7, s2  }
0x1e: {  	s7 =	smul.u32 @!p0 $0xF7A, s2;
	p2 =	seq.s32 @!p0 s5, $0x0  }
0x1f: {  	s9 =	smul.u32 $0xF7A, s1;
	s8 =	simm.s32 @!p0 $0x1BF5;
	p2 =	por !p2, p0  }
0x20: {  	[sflag:s8] =	ssyncset.s32 @!p0 $0xFFFFF086;
	s6 =	sadd.s32 @!p0 s3, s7;
	s7 =	simm.s32 @!p0 $0x108  }
0x21: {  	s3 =	sadd.s32 s3, s9;
	s6 =	sadd.s32 @!p0 $0x88, s6;
	s7 =	simm.s32 @p2 $0x1082  }
0x22: {  	[simem:s7], [sflag:s8] =	dma.local @!p0 [hbm:s6], $0xF7A  }
0x23: {  	s9 =	sor.u32 $0xD0000000, s2;
	s6 =	simm.s32 $0x108;
	_ =	swait.ge @!p0 [sflag:s8], $0x0  }
0x24: {  	s3 =	sadd.s32 $0x88, s3;
	s6 =	simm.s32 @!p1 $0x1082;
	[sflag:s4] =	ssyncset.s32 $0xFFFFF086  }
0x25: {  	[simem:s6], [sflag:s4] =	dma.local [hbm:s3], $0xF7A  }
0x26: {  	[smem:$0x3F9F] =	sst s1;
	(tag) =	ssettag s2;
	_ =	strace s9  }
0x27: {  	s1 =	sld [smem:$0x3FAF]  }
0x28: {  	s2 =	sld [smem:$0x3FB0]  }
0x29: {  	s4 =	sld [smem:$0x3FB2]  }
0x2a: {  	p0 =	seq.s32 s5, $0x0;
	s5 =	sld [smem:$0x3FB3]  }
0x2b: {  	s6 =	sld [smem:$0x3FB4]  }
0x2c: {  	s7 =	sld [smem:$0x3FB5]  }
0x2d: {  	s3 =	simm.s32 $0x108;
	s8 =	sld [smem:$0x3FB6]  }
0x2e: {  	s3 =	simm.s32 @!p0 $0x1082;
	s9 =	sld [smem:$0x3FB7]  }
0x2f: {  	lr =	sadd.s32 s0, s3;
	s0 =	sld [smem:$0x3FAE]  }
0x30: {  	s3 =	sld [smem:$0x3FB1]  }
0x31: {  	[smem:$0x3FBA] =	sst s10  }
0x32: {  	s10 =	sld [smem:$0x3FB8];
	_ =	sdelay $0x3  }
0x33: {  	p0 =	seq.s32 s10, $0x1;
	s10 =	sld [smem:$0x3FBA];
	_ =	sdelay $0x3  }
0x34: {  	[smem:$0x3FBA] =	sst s10  }
0x35: {  	s10 =	sld [smem:$0x3FB9];
	_ =	sdelay $0x3  }
0x36: {  	p1 =	seq.s32 s10, $0x1;
	s10 =	sld [smem:$0x3FBA];
	_ =	sdelay $0x3  }
0x37: {  	[smem:$0x3FBA] =	sst s10  }
0x38: {  	s10 =	sld [smem:$0x3FBB]  }
0x39: {  	_ = 	snop;
	(pc) =	sbr.ind lr, $3  }
0x3a: {  	_ = 	snop  }
0x3b: {  	_ = 	snop  }
0x3c: {  	p2 =	seq.s32 s10, $0x1;
	s10 =	sld [smem:$0x3FBA]  }
0x3d: {  	_ =	shalt  }
0x3e: {  	_ =	shalt  }
0x3f: {  	_ =	shalt  }
0x40: {  	_ =	shalt  }
0x41: {  	_ =	shalt  }
0x42: {  	_ =	shalt  }
0x43: {  	_ =	shalt  }
0x44: {  	_ =	shalt  }
0x45: {  	_ =	shalt  }
0x46: {  	_ =	shalt  }
0x47: {  	_ =	shalt  }
0x48: {  	_ =	shalt  }
0x49: {  	_ =	shalt  }
0x4a: {  	_ =	shalt  }
0x4b: {  	_ =	shalt  }
0x4c: {  	_ =	shalt  }
0x4d: {  	_ =	shalt  }
0x4e: {  	_ =	shalt  }
0x4f: {  	_ =	shalt  }
0x50: {  	_ =	shalt  }
0x51: {  	_ =	shalt  }
0x52: {  	_ =	shalt  }
0x53: {  	_ =	shalt  }
0x54: {  	_ =	shalt  }
0x55: {  	_ =	shalt  }
0x56: {  	_ =	shalt  }
0x57: {  	_ =	shalt  }
0x58: {  	_ =	shalt  }
0x59: {  	_ =	shalt  }
0x5a: {  	_ =	shalt  }
0x5b: {  	_ =	shalt  }
0x5c: {  	_ =	shalt  }
0x5d: {  	_ =	shalt  }
0x5e: {  	_ =	shalt  }
0x5f: {  	_ =	shalt  }
0x60: {  	_ =	shalt  }
0x61: {  	_ =	shalt  }
0x62: {  	_ =	shalt  }
0x63: {  	_ =	shalt  }
0x64: {  	_ =	shalt  }
0x65: {  	_ =	shalt  }
0x66: {  	_ =	shalt  }
0x67: {  	_ =	shalt  }
0x68: {  	_ =	shalt  }
0x69: {  	_ =	shalt  }
0x6a: {  	_ =	shalt  }
0x6b: {  	_ =	shalt  }
0x6c: {  	_ =	shalt  }
0x6d: {  	_ =	shalt  }
0x6e: {  	_ =	shalt  }
0x6f: {  	_ =	shalt  }
0x70: {  	_ =	shalt  }
0x71: {  	_ =	shalt  }
0x72: {  	_ =	shalt  }
0x73: {  	_ =	shalt  }
0x74: {  	_ =	shalt  }
0x75: {  	_ =	shalt  }
0x76: {  	_ =	shalt  }
0x77: {  	_ =	shalt  }
0x78: {  	_ =	shalt  }
0x79: {  	_ =	shalt  }
0x7a: {  	_ =	shalt  }
0x7b: {  	_ =	shalt  }
0x7c: {  	_ =	shalt  }
0x7d: {  	_ =	shalt  }
0x7e: {  	_ =	shalt  }
0x7f: {  	_ =	shalt  }
0x80: {  	_ =	shalt  }
0x81: {  	_ =	shalt  }
0x82: {  	_ =	shalt  }
0x83: {  	_ =	shalt  }
0x84: {  	_ =	shalt  }
0x85: {  	_ =	shalt  }
0x86: {  	_ =	shalt  }
0x87: {  	_ =	shalt  }
.Lfunc_end0:
.L_simem_size_0:
called_computation_lowered:
.L_overlay_start_0:
0x88: {  	s2 =	sld [smem:$0x3FD9]  }
0x89: {  	s3 =	sld [smem:$0x3FFE];
	_ =	sdelay $0x1  }
0x8a: {  	s1 =	srdreg.scid  }
0x8b: {  	s0 =	sand.u32 $0x1, s1  }
0x8c: {  	s17 =	sshll.u32 s0, $0xA;
	s2 =	sadd.s32 s3, s2  }
0x8d: {  	s2 =	sadd.s32 s2, s17  }
0x8e: {  	[smem:$0x3FC6] =	sst s2  }
0x8f: {  	_ = 	snop  }
0x90: {  	s2 =	sld [smem:$0x3FC9]  }
0x91: {  	s18 =	sld [smem:$0x3FD0];
	(tm) =	ssettm $0x1  }
0x92: {  	s4 =	sld [smem:$0x3FFB];
	_ =	sdelay $0x3  }
0x93: {  	_ =	strace s4  }
0x94: {  	s4 =	sld [smem:$0x3FFC];
	_ =	sdelay $0x3  }
0x95: {  	_ =	strace s4  }
0x96: {  	s4 =	sld [smem:$0x3FFD];
	_ =	sdelay $0x3  }
0x97: {  	_ =	strace s4  }
0x98: {  	_ =	strace $0x8FFFFFFF  }
0x99: {  	s19 =	sld [smem:$0x3FDB];
	_ =	sdelay $0x1  }
0x9a: {  	s5 =	simm.s32 $_scs_section_size  }
0x9b: {  	s6 =	simm.s32 $_size__tile_overlayer_lowered;
	s7 =	simm.s32 $_tile_overlayer_lowered  }
0x9c: {  	s22 =	simm.s32 $0x1BFF;
	s21 =	sshll.u32 s7, $0x1;
	s4 =	sadd.s32 s5, s19  }
0x9d: {  	s8 =	simm.s32 $0x0;
	s20 =	sshll.u32 s6, $0x1;
	s6 =	sadd.s32 s21, s4  }
0x9e: {  	[timem:s8], [sflag:s22] =	dma.local [hbm:s6], s20  }
0x9f: {  	_ =	swait.ge [sflag:s22], s20  }
0xa0: {  	s5 =	ssub.s32 $0x0, s20;
	[sflag:s22] =	ssyncset.done $0x0  }
0xa1: {  	[sflag:s22] =	ssyncadd.s32 s5;
	_ =	sdelay $0x1  }
0xa2: {  	s23 =	simm.s32 $0x1B8B  }
0xa3: {  	_ =	swait.ge [sflag:s23], $0x1  }
0xa4: {  	[sflag:s23] =	ssyncset.done $0x0  }
0xa5: {  	s25 =	simm.s32 $0x1B8E;
	s24 =	sld [smem:$0x3FFE];
	[sflag:s23] =	ssyncadd.s32 $0xFFFFFFFF  }
0xa6: {  	s26 =	simm.s32 $execute0_lowered;
	[smem:$0x3FD2] =	sst s25  }
0xa7: {  	s6 =	sshll.u32 s26, $0x1;
	_ =	strace $0x80000046;
	[dreg:$0x1] =	wrdreg $0xFFFFFFFF  }
0xa8: {  	s28 =	simm.s32 $_size_execute0_lowered;
	s4 =	sadd.s32 s4, s6;
	[dreg:$0x0] =	wrdreg $0x0  }
0xa9: {  	s6 =	sshll.u32 s28, $0x1;
	[dreg:$0x2] =	wrdreg s4  }
0xaa: {  	[dreg:$0x3] =	wrdreg s6  }
0xab: {  	[dreg:$0x4] =	wrdreg $0xC0  }
0xac: {  	_ =	task [dreg:s8], $0x5FFFF  }
0xad: {  	[dreg:$0x1] =	wrdreg $0xFFFFFFFF  }
0xae: {  	[dreg:$0x0] =	wrdreg $0x60  }
0xaf: {  	[dreg:$0x2] =	wrdreg s24  }
0xb0: {  	[dreg:$0x3] =	wrdreg s2  }
0xb1: {  	[dreg:$0x4] =	wrdreg s18  }
0xb2: {  	[dreg:$0x5] =	wrdreg $0x9  }
0xb3: {  	_ =	task.clear_ibuf [dreg:s8], $0x6FFFF;
	_ =	strace $0x90000046  }
0xb4: {  	s29 =	simm.s32 $0x9;
	_ =	strace $0x80000048  }
0xb5: {  	_ =	swait.ge [sflag:s29], $0x1  }
0xb6: {  	[sflag:s29] =	ssyncadd.s32 $0xFFFFFFFF  }
0xb7: {  	_ =	strace $0x90000048  }
0xb8: {  	_ =	sfence  }
0xb9: {  	s30 =	sld [smem:$0x0];
	_ =	sdelay $0x2  }
0xba: {  	s31 =	sshll.u32 s1, $0xD;
	s1 =	sshrl.u32 s1, $0x2  }
0xbb: {  	s3 =	sand.u32 $0x4000, s31;
	s1 =	sadd.s32 s1, s30  }
0xbc: {  	s0 =	sor.u32 s3, s0;
	s1 =	sshll.u32 s1, $0x11  }
0xbd: {  	s0 =	sor.u32 s1, s0  }
0xbe: {  	s0 =	sadd.s32 $0x8F2B, s0  }
0xbf: {  	[sflag:s0] =	ssyncadd.remote.s32 $0x1  }
0xc0: {  	_ =	sfence.sel $0xFFFF  }
0xc1: {  	[dreg:$0x0] =	wrdreg $0xFFFFFFFF;
	(pc) =	sbr.abs _section_cstart, $3  }
0xc2: {  	[dreg:$0x1] =	wrdreg $0xFFFFFFFF  }
0xc3: {  	_ =	task.clear_ibuf [dreg:s8], $0x2FFFF;
	_ =	strace $0x9FFFFFFF  }
0xc4: {  	(tm) =	ssettm $0x7FFFFFFF  }
0xc5: {  	_ =	shalt  }
tec
execute0_lowered:
.L_overlay_start_1:
0x0: {  	(tag) =	ssettag $0x1  }
0x1: {  	s0 =	rddreg [dreg:$0x0]  }
0x2: {  	s3 =	rddreg [dreg:$0x1]  }
0x3: {  	s1 =	rddreg [dreg:$0x2];
	s2 =	simm.s32 $0x0;
	s4 =	srdreg.scid  }
0x4: {  	s7 =	stileid.u32;
	s12 =	simm.s32 $0x20000;
	s14 =	simm.s32 $0x4  }
0x5: {  	s15 =	simm.s32 $0x3;
	s16 =	simm.s32 $0x1;
	s17 =	simm.s32 $0x400  }
0x6: {  	s18 =	simm.s32 $0x19100;
	s19 =	simm.s32 $0x1B100;
	s20 =	simm.s32 $0x2  }
0x7: {  	s21 =	simm.s32 $0x0;
	[smem:$0x7FF] =	sst s2;
	s4 =	sand.u32 $0x1, s4  }
.Ltmp0:
0x8: {  	s5 =	sadd.s32 $0x400, s0;
	s7 =	sshll.u32 s7, $0xA;
	(pc) =	sbr.rel .LBB2_1-.Ltmp0, $4  }
0x9: {  	s0 =	sadd.s32 $0x1DE6, s0;
	_ =	strace $0x80000047;
	s31 =	ssub.s32 $0x2, s4  }
0xa: {  	[dreg:$0x4] =	wrdreg s5;
	s4 =	sshll.u32 s4, $0x9;
	s6 =	sshrl.u32 s31, $0x1  }
0xb: {  	[dreg:$0x5] =	wrdreg s0;
	s5 =	sor.u32 s4, s7;
	s9 =	ssub.s32 s31, s6  }
0xc: {  	s7 =	sadd.s32 s3, s5;
	s8 =	sadd.s32 s1, s5;
	s9 =	smax.u32 s9, $0x1  }
.LBB2_24:
0xd: {  	s21 =	sadd.s32 $0x1, s21  }
0xe: {  	_ =	swait.ge [sflag:s16], $0x2000;
	p0 =	sne.s32 s21, s9  }
.Ltmp1:
0xf: {  	[sflag:s16] =	ssyncset.done $0x0;
	(pc) =	sbr.rel @!p0 .LBB2_25-.Ltmp1, $4  }
0x10: {  	[sflag:s16] =	ssyncadd.s32 $0xFFFFE000  }
0x11: {  	_ =	swait.ge [sflag:s20], $0x2000  }
0x12: {  	[sflag:s20] =	ssyncset.done $0x0  }
0x13: {  	[sflag:s20] =	ssyncadd.s32 $0xFFFFE000  }
.LBB2_1:
0x14: {  	s0 =	rddreg [dreg:$0x4]  }
0x15: {  	[tilespmem:s2], [sflag:$0x3] =	stream.linear.gather [hbm4b:s0+s2], $0xCF30, $0x38;
	[tilespmem:$0x1D100] =	vst v63  }
0x16: {  	s29 =	rddreg [dreg:$0x5];
	s3 =	simm.s32 $0xCF30  }
0x17: {  	[tilespmem:s3], [sflag:$0x3] =	stream.linear.gather [hbm4b:s29+s2], $0x817E, $0x38;
	[tilespmem:$0x1D100] =	vst v63  }
0x18: {  	s30 =	simm.s32 $0x1000;
	s31 =	simm.s32 $0x15100  }
0x19: {  	[tilespmem:s31], [sflag:$0x4] =	stream.strided.gather [hbm4b:s7+s30], $0x4000, s12, s30, $0x38;
	[tilespmem:$0x1D100] =	vst v63  }
0x1a: {  	_ =	swait.ge [sflag:s14], $0x4000  }
0x1b: {  	[sflag:s14] =	ssyncset.done $0x0  }
0x1c: {  	[sflag:s14] =	ssyncadd.s32 $0xFFFFC000  }
0x1d: {  	_ =	swait.ge [sflag:s15], $0xCF30  }
0x1e: {  	[sflag:s15] =	ssyncset.done $0x0  }
0x1f: {  	s22 =	simm.s32 $0x0;
	[sflag:s15] =	ssyncadd.s32 $0xFFFF30D0  }
.LBB2_2:
0x20: {  	p0 =	sne.s32 s22, $0x10  }
.Ltmp2:
0x21: {  	_ = 	snop;
	(pc) =	sbr.rel @p0 .LBB2_5-.Ltmp2, $1  }
0x22: {  	_ =	sdelay $0x3  }
.Ltmp3:
0x23: {  	(pc) =	sbr.rel .LBB2_4-.Ltmp3, $4  }
0x24: {  	_ = 	snop  }
0x25: {  	_ =	swait.ge [sflag:s15], $0x817E  }
0x26: {  	[sflag:s15] =	ssyncset.done $0x0  }
0x27: {  	v0 =	vimm.s32 $0xCF30;
	[sflag:s15] =	ssyncadd.s32 $0xFFFF7E82  }
.LBB2_5:
0x28: {  	p0 =	seq.s32 s22, $0x0  }
.Ltmp4:
0x29: {  	_ = 	snop;
	(pc) =	sbr.rel @p0 .LBB2_6-.Ltmp4, $3  }
0x2a: {  	_ = 	snop  }
0x2b: {  	s0 =	smul.u32 $0xCF3, s22;
	_ =	sdelay $0x1  }
0x2c: {  	v0 =	vmov s0  }
.LBB2_4:
0x2d: {  	_ =	swait.ge [sflag:s16], $0x2000  }
0x2e: {  	[sflag:s16] =	ssyncset.done $0x0  }
0x2f: {  	p0 =	por $0x0, $0x0;
	[sflag:s16] =	ssyncadd.s32 $0xFFFFE000  }
.LBB2_7:
0x30: {  	s0 =	sshll.u32 s22, $0x9;
	s3 =	sshll.u32 s22, $0x7  }
0x31: {  	s0 =	sand.u32 $0x3000, s0;
	s3 =	sand.u32 $0x380, s3  }
0x32: {  	s0 =	sor.u32 s3, s0  }
0x33: {  	v1 =	vld [tilespmem:s0+$0x15100];
	_ =	sdelay $0x4  }
0x34: {  	v1 =	vmul.u32 $0x41, v1  }
0x35: {  	s23 =	sadd.s32 $0x15100, s0  }
0x36: {  	s13 =	simm.s32 $0x3;
	v2 =	vld [tilespmem:s23+$0x10];
	v4 =	vadd.s32 v0, v1  }
0x37: {  	s10 =	simm.s32 $0x1;
	v1 =	vadd.s32 s13, v4  }
0x38: {  	s4 =	simm.s32 $0x2;
	v3 =	vadd.s32 s10, v4  }
0x39: {  	v5 =	vadd.s32 s4, v4;
	_ =	sdelay $0x1  }
0x3a: {  	v6 =	vld [tilespmem:s23+$0x20];
	v2 =	vmul.u32 $0x41, v2  }
0x3b: {  	s25 =	simm.s32 $0x5;
	v1 =	vld.idx.msk [tilespmem:v1+s2+$0x0], $0xffff  }
0x3c: {  	v2 =	vadd.s32 v0, v2;
	v10 =	vadd.s32 s25, v4;
	v3 =	vld.idx.msk [tilespmem:v3+s2+$0x0], $0xffff  }
0x3d: {  	v7 =	vadd.s32 s13, v2;
	v5 =	vld.idx.msk [tilespmem:v5+s2+$0x0], $0xffff  }
0x3e: {  	v12 =	vadd.s32 s4, v2;
	v11 =	vld.idx.msk [tilespmem:v4+s2+$0x0], $0xffff  }
0x3f: {  	s30 =	simm.s32 $0x19200;
	v9 =	vadd.s32 s10, v2  }
0x40: {  	v8 =	vld [tilespmem:s23+$0x30];
	v6 =	vmul.u32 $0x41, v6;
	[tilespmem:s30+$0x80] =	vst v1  }
0x41: {  	s24 =	simm.s32 $0x6;
	v14 =	vld.idx.msk [tilespmem:v10+s2+$0x0], $0xffff;
	[tilespmem:s30+$0xFFFFFF80] =	vst v3  }
0x42: {  	s3 =	simm.s32 $0x7;
	v1 =	vadd.s32 v0, v6;
	v6 =	vadd.s32 s24, v4;
	[tilespmem:s30+$0x0] =	vst v5;
	v3 =	vld.idx.msk [tilespmem:v7+s2+$0x0], $0xffff  }
0x43: {  	[tilespmem:s30+$0xFFFFFF00] =	vst v11;
	v11 =	vadd.s32 s3, v4;
	v10 =	vld.idx.msk [tilespmem:v12+s2+$0x0], $0xffff  }
0x44: {  	v9 =	vld.idx.msk [tilespmem:v9+s2+$0x0], $0xffff;
	v13 =	vadd.s32 s13, v1  }
0x45: {  	v5 =	vadd.s32 s10, v1  }
0x46: {  	s28 =	simm.s32 $0x0;
	v12 =	vld.idx.msk [tilespmem:v2+s2+$0x0], $0xffff;
	v15 =	vadd.s32 s4, v1;
	v7 =	vadd.s32 $0x4, v4  }
0x47: {  	v16 =	vadd.s32 s28, v7;
	v6 =	vld.idx.msk [tilespmem:v6+s2+$0x0], $0xffff;
	[tilespmem:s30+$0x90] =	vst v3  }
0x48: {  	v8 =	vmul.u32 $0x41, v8;
	v19 =	vadd.s32 s25, v2;
	[tilespmem:s30+$0x10] =	vst v10;
	v10 =	vld.idx.msk [tilespmem:v11+s2+$0x0], $0xffff  }
0x49: {  	s26 =	simm.s32 $0x9;
	[tilespmem:s30+$0xFFFFFF90] =	vst v9;
	v13 =	vld.idx.msk [tilespmem:v13+s2+$0x0], $0xffff  }
0x4a: {  	s29 =	simm.s32 $0x19400;
	v3 =	vadd.s32 v0, v8;
	v9 =	vadd.s32 s26, v4;
	v5 =	vld.idx.msk [tilespmem:v5+s2+$0x0], $0xffff  }
0x4b: {  	[tilespmem:s29+$0xFFFFFF80] =	vst v14;
	v17 =	vadd.s32 s13, v3;
	v21 =	vld.idx.msk [tilespmem:v15+s2+$0x0], $0xffff  }
0x4c: {  	[tilespmem:s30+$0xFFFFFF10] =	vst v12;
	v15 =	vadd.s32 s3, v2;
	v16 =	vld.idx.msk [tilespmem:v16+s2+$0x0], $0xffff  }
0x4d: {  	v20 =	vadd.s32 s24, v2;
	v14 =	vld.idx.msk [tilespmem:v19+s2+$0x0], $0xffff;
	[tilespmem:s29+$0x0] =	vst v6  }
0x4e: {  	v8 =	vadd.s32 $0x4, v2;
	v18 =	vadd.s32 s10, v3;
	v11 =	vld.idx.msk [tilespmem:v1+s2+$0x0], $0xffff;
	[tilespmem:s29+$0x80] =	vst v10  }
0x4f: {  	v22 =	vadd.s32 s28, v8;
	v9 =	vld.idx.msk [tilespmem:v9+s2+$0x0], $0xffff;
	[tilespmem:s30+$0xA0] =	vst v13  }
0x50: {  	s31 =	simm.s32 $0xA;
	[tilespmem:s30+$0xFFFFFFA0] =	vst v5;
	v12 =	vld.idx.msk [tilespmem:v17+s2+$0x0], $0xffff;
	v17 =	vadd.s32 s4, v3  }
0x51: {  	v15 =	vld.idx.msk [tilespmem:v15+s2+$0x0], $0xffff;
	v13 =	vadd.s32 s31, v4;
	[tilespmem:s29+$0xFFFFFF00] =	vst v16  }
0x52: {  	v16 =	vld.idx.msk [tilespmem:v20+s2+$0x0], $0xffff;
	[tilespmem:s30+$0x20] =	vst v21;
	v21 =	vmov v3  }
0x53: {  	s11 =	simm.s32 $0x8;
	v19 =	vadd.s32 s3, v1;
	v10 =	vld.idx.msk [tilespmem:v18+s2+$0x0], $0xffff  }
0x54: {  	s0 =	simm.s32 $0x4;
	s10 =	simm.s32 $0xB;
	s13 =	simm.s32 $0xC;
	v6 =	vadd.s32 $0x4, v1;
	v5 =	vadd.s32 $0x4, v3;
	v20 =	vadd.s32 s25, v1;
	v18 =	vld.idx.msk [tilespmem:v22+s2+$0x0], $0xffff  }
.LBB2_8:
0x55: {  	p1 =	slt.u32 s13, $0x3C;
	v22 =	vadd.s32 s10, v4;
	v17 =	vld.idx.msk [tilespmem:v17+s2+$0x0], $0xffff;
	[tilespmem:s30+$0xB0] =	vst v12  }
0x56: {  	v12 =	vadd.s32 s24, v1;
	v23 =	vld.idx.msk [tilespmem:v13+s2+$0x0], $0xffff;
	[tilespmem:s30+$0xFFFFFF20] =	vst v11  }
0x57: {  	v11 =	vadd.s32 s28, v6;
	[tilespmem:s29+$0x90] =	vst v15;
	v13 =	vld.idx.msk [tilespmem:v21+s2+$0x0], $0xffff  }
0x58: {  	s4 =	sadd.s32 $0x1, s13;
	v15 =	vadd.s32 s0, v7;
	[tilespmem:s29+$0xFFFFFF90] =	vst v14;
	v14 =	vld.idx.msk [tilespmem:v19+s2+$0x0], $0xffff  }
0x59: {  	v19 =	vadd.s32 s4, v4;
	v20 =	vld.idx.msk [tilespmem:v20+s2+$0x0], $0xffff;
	[tilespmem:s29+$0x10] =	vst v16  }
0x5a: {  	v16 =	vld.idx.msk [tilespmem:v22+s2+$0x0], $0xffff;
	[tilespmem:s29+$0xFFFFFF10] =	vst v18;
	v18 =	vadd.s32 s3, v3;
	s3 =	smov.u32 s10  }
0x5b: {  	v21 =	vadd.s32 s25, v3;
	s25 =	smov.u32 s26;
	s26 =	smov.u32 s4;
	v22 =	vld.idx.msk [tilespmem:v12+s2+$0x0], $0xffff;
	[tilespmem:s30+$0xFFFFFFB0] =	vst v10  }
0x5c: {  	v24 =	vadd.s32 s3, v2;
	v11 =	vld.idx.msk [tilespmem:v11+s2+$0x0], $0xffff;
	[tilespmem:s30+$0x30] =	vst v17  }
0x5d: {  	v26 =	vadd.s32 s25, v2;
	v25 =	vld.idx.msk [tilespmem:v15+s2+$0x0], $0xffff;
	[tilespmem:s30+$0xFFFFFF30] =	vst v13;
	s30 =	smov.u32 s29  }
0x5e: {  	v27 =	vld.idx.msk [tilespmem:v19+s2+$0x0], $0xffff;
	v19 =	vadd.s32 s31, v2;
	[tilespmem:s29+$0xA0] =	vst v14  }
0x5f: {  	v28 =	vadd.s32 s0, v8;
	s29 =	sadd.s32 $0x200, s29;
	[tilespmem:s30+$0xFFFFFFA0] =	vst v20;
	v12 =	vld.idx.msk [tilespmem:v18+s2+$0x0], $0xffff  }
.Ltmp5:
0x60: {  	v17 =	vadd.s32 s24, v3;
	s24 =	smov.u32 s31;
	s31 =	sadd.s32 $0x2, s13;
	[tilespmem:s29+$0x80] =	vst v16;
	v10 =	vld.idx.msk [tilespmem:v21+s2+$0x0], $0xffff;
	(pc) =	sbr.rel @p1 .LBB2_8-.Ltmp5, $4  }
0x61: {  	v13 =	vadd.s32 s31, v4;
	[tilespmem:s29+$0xFFFFFF80] =	vst v9;
	v15 =	vld.idx.msk [tilespmem:v24+s2+$0x0], $0xffff  }
0x62: {  	v21 =	vadd.s32 s28, v5;
	s28 =	smov.u32 s0;
	s0 =	smov.u32 s11;
	s11 =	smov.u32 s13;
	v14 =	vld.idx.msk [tilespmem:v26+s2+$0x0], $0xffff;
	[tilespmem:s29+$0x0] =	vst v23  }
0x63: {  	[tilespmem:s29+$0xFFFFFF00] =	vst v25;
	v16 =	vld.idx.msk [tilespmem:v19+s2+$0x0], $0xffff;
	v19 =	vadd.s32 s3, v1  }
0x64: {  	v20 =	vadd.s32 s25, v1;
	s13 =	sadd.s32 $0x4, s13;
	s10 =	sadd.s32 $0x3, s11;
	v9 =	vmov v27;
	v18 =	vld.idx.msk [tilespmem:v28+s2+$0x0], $0xffff;
	[tilespmem:s30+$0x20] =	vst v22  }
0x65: {  	_ = 	snop  }
0x66: {  	[tilespmem:s30+$0xB0] =	vst v12  }
0x67: {  	v4 =	vadd.s32 s10, v4;
	[tilespmem:s30+$0xFFFFFF20] =	vst v11  }
0x68: {  	[tilespmem:s30+$0xFFFFFFB0] =	vst v10  }
0x69: {  	v11 =	vld.idx.msk [tilespmem:v17+s2+$0x0], $0xffff;
	s6 =	sadd.s32 $0x200, s29;
	[tilespmem:s29+$0x90] =	vst v15  }
0x6a: {  	v7 =	vadd.s32 s0, v7;
	v12 =	vld.idx.msk [tilespmem:v21+s2+$0x0], $0xffff;
	[tilespmem:s6+$0xFFFFFF80] =	vst v9  }
0x6b: {  	v15 =	vadd.s32 s24, v1;
	[tilespmem:s29+$0xFFFFFF90] =	vst v14;
	v14 =	vld.idx.msk [tilespmem:v19+s2+$0x0], $0xffff  }
0x6c: {  	v17 =	vadd.s32 s3, v3;
	[tilespmem:s29+$0x10] =	vst v16;
	v4 =	vld.idx.msk [tilespmem:v4+s2+$0x0], $0xffff  }
0x6d: {  	v10 =	vadd.s32 s10, v2;
	v16 =	vld.idx.msk [tilespmem:v20+s2+$0x0], $0xffff;
	[tilespmem:s29+$0xFFFFFF10] =	vst v18  }
0x6e: {  	[tilespmem:s30+$0x30] =	vst v11;
	v11 =	vld.idx.msk [tilespmem:v13+s2+$0x0], $0xffff;
	v13 =	vadd.s32 s26, v2  }
0x6f: {  	v7 =	vld.idx.msk [tilespmem:v7+s2+$0x0], $0xffff;
	v2 =	vadd.s32 s31, v2;
	[tilespmem:s30+$0xFFFFFF30] =	vst v12  }
0x70: {  	v8 =	vadd.s32 s0, v8;
	v12 =	vld.idx.msk [tilespmem:v15+s2+$0x0], $0xffff;
	[tilespmem:s29+$0xA0] =	vst v14  }
0x71: {  	v14 =	vadd.s32 s28, v6;
	v15 =	vld.idx.msk [tilespmem:v17+s2+$0x0], $0xffff;
	[tilespmem:s6+$0x80] =	vst v4  }
0x72: {  	[tilespmem:s29+$0xFFFFFFA0] =	vst v16;
	v4 =	vadd.s32 s25, v3;
	v9 =	vld.idx.msk [tilespmem:v10+s2+$0x0], $0xffff  }
0x73: {  	[tilespmem:s6+$0x0] =	vst v11;
	v11 =	vadd.s32 s10, v1;
	v10 =	vld.idx.msk [tilespmem:v13+s2+$0x0], $0xffff  }
0x74: {  	[tilespmem:s6+$0xFFFFFF00] =	vst v7;
	v7 =	vadd.s32 s26, v1;
	v2 =	vld.idx.msk [tilespmem:v2+s2+$0x0], $0xffff  }
0x75: {  	v1 =	vadd.s32 s31, v1;
	v8 =	vld.idx.msk [tilespmem:v8+s2+$0x0], $0xffff;
	[tilespmem:s29+$0x20] =	vst v12  }
0x76: {  	v6 =	vadd.s32 s0, v6;
	v12 =	vld.idx.msk [tilespmem:v14+s2+$0x0], $0xffff;
	[tilespmem:s29+$0xB0] =	vst v15  }
0x77: {  	v13 =	vadd.s32 s24, v3;
	v4 =	vld.idx.msk [tilespmem:v4+s2+$0x0], $0xffff;
	[tilespmem:s6+$0x90] =	vst v9  }
0x78: {  	v9 =	vadd.s32 s28, v5;
	[tilespmem:s6+$0xFFFFFF90] =	vst v10;
	v10 =	vld.idx.msk [tilespmem:v11+s2+$0x0], $0xffff  }
0x79: {  	[tilespmem:s6+$0x10] =	vst v2;
	v2 =	vadd.s32 s10, v3;
	v7 =	vld.idx.msk [tilespmem:v7+s2+$0x0], $0xffff  }
0x7a: {  	[tilespmem:s6+$0xFFFFFF10] =	vst v8;
	v8 =	vadd.s32 s26, v3;
	v1 =	vld.idx.msk [tilespmem:v1+s2+$0x0], $0xffff  }
0x7b: {  	v3 =	vadd.s32 s31, v3;
	[tilespmem:s29+$0xFFFFFF20] =	vst v12;
	v6 =	vld.idx.msk [tilespmem:v6+s2+$0x0], $0xffff  }
0x7c: {  	v11 =	vld.idx.msk [tilespmem:v13+s2+$0x0], $0xffff;
	[tilespmem:s29+$0xFFFFFFB0] =	vst v4;
	v4 =	vadd.s32 s0, v5  }
0x7d: {  	v5 =	vld.idx.msk [tilespmem:v9+s2+$0x0], $0xffff;
	[tilespmem:s6+$0xA0] =	vst v10  }
0x7e: {  	[tilespmem:s6+$0xFFFFFFA0] =	vst v7;
	v2 =	vld.idx.msk [tilespmem:v2+s2+$0x0], $0xffff  }
0x7f: {  	[tilespmem:s6+$0x20] =	vst v1;
	v7 =	vld.idx.msk [tilespmem:v8+s2+$0x0], $0xffff  }
0x80: {  	[tilespmem:s6+$0xFFFFFF20] =	vst v6;
	v1 =	vld.idx.msk [tilespmem:v3+s2+$0x0], $0xffff  }
0x81: {  	[tilespmem:s29+$0x30] =	vst v11;
	v3 =	vld.idx.msk [tilespmem:v4+s2+$0x0], $0xffff  }
0x82: {  	[tilespmem:s29+$0xFFFFFF30] =	vst v5  }
0x83: {  	[tilespmem:s6+$0xB0] =	vst v2  }
0x84: {  	[tilespmem:s6+$0xFFFFFFB0] =	vst v7  }
0x85: {  	[tilespmem:s6+$0x30] =	vst v1  }
0x86: {  	[tilespmem:s6+$0xFFFFFF30] =	vst v3  }
0x87: {  	v1 =	vld [tilespmem:s23+$0x40];
	_ =	sdelay $0x4  }
0x88: {  	v1 =	vmul.u32 $0x41, v1;
	_ =	sdelay $0x1  }
0x89: {  	s11 =	simm.s32 $0x3;
	v2 =	vld [tilespmem:s23+$0x50];
	v4 =	vadd.s32 v0, v1  }
0x8a: {  	s13 =	simm.s32 $0x1;
	v1 =	vadd.s32 s11, v4  }
0x8b: {  	s4 =	simm.s32 $0x2;
	v3 =	vadd.s32 s13, v4  }
0x8c: {  	v5 =	vadd.s32 s4, v4;
	_ =	sdelay $0x1  }
0x8d: {  	v6 =	vld [tilespmem:s23+$0x60];
	v2 =	vmul.u32 $0x41, v2  }
0x8e: {  	s25 =	simm.s32 $0x5;
	v1 =	vld.idx.msk [tilespmem:v1+s2+$0x0], $0xffff  }
0x8f: {  	v2 =	vadd.s32 v0, v2;
	v10 =	vadd.s32 s25, v4;
	v3 =	vld.idx.msk [tilespmem:v3+s2+$0x0], $0xffff  }
0x90: {  	v7 =	vadd.s32 s11, v2;
	v5 =	vld.idx.msk [tilespmem:v5+s2+$0x0], $0xffff  }
0x91: {  	v12 =	vadd.s32 s4, v2;
	v11 =	vld.idx.msk [tilespmem:v4+s2+$0x0], $0xffff  }
0x92: {  	s30 =	simm.s32 $0x19240;
	v9 =	vadd.s32 s13, v2  }
0x93: {  	v8 =	vld [tilespmem:s23+$0x70];
	v6 =	vmul.u32 $0x41, v6;
	[tilespmem:s30+$0x80] =	vst v1  }
0x94: {  	s24 =	simm.s32 $0x6;
	v14 =	vld.idx.msk [tilespmem:v10+s2+$0x0], $0xffff;
	[tilespmem:s30+$0xFFFFFF80] =	vst v3  }
0x95: {  	s3 =	simm.s32 $0x7;
	v1 =	vadd.s32 v0, v6;
	v6 =	vadd.s32 s24, v4;
	[tilespmem:s30+$0x0] =	vst v5;
	v3 =	vld.idx.msk [tilespmem:v7+s2+$0x0], $0xffff  }
0x96: {  	[tilespmem:s30+$0xFFFFFF00] =	vst v11;
	v11 =	vadd.s32 s3, v4;
	v10 =	vld.idx.msk [tilespmem:v12+s2+$0x0], $0xffff  }
0x97: {  	v9 =	vld.idx.msk [tilespmem:v9+s2+$0x0], $0xffff;
	v13 =	vadd.s32 s11, v1  }
0x98: {  	v5 =	vadd.s32 s13, v1  }
0x99: {  	s28 =	simm.s32 $0x0;
	v12 =	vld.idx.msk [tilespmem:v2+s2+$0x0], $0xffff;
	v15 =	vadd.s32 s4, v1;
	v7 =	vadd.s32 $0x4, v4  }
0x9a: {  	v16 =	vadd.s32 s28, v7;
	v6 =	vld.idx.msk [tilespmem:v6+s2+$0x0], $0xffff;
	[tilespmem:s30+$0x90] =	vst v3  }
0x9b: {  	v8 =	vmul.u32 $0x41, v8;
	v19 =	vadd.s32 s25, v2;
	[tilespmem:s30+$0x10] =	vst v10;
	v10 =	vld.idx.msk [tilespmem:v11+s2+$0x0], $0xffff  }
0x9c: {  	s26 =	simm.s32 $0x9;
	[tilespmem:s30+$0xFFFFFF90] =	vst v9;
	v13 =	vld.idx.msk [tilespmem:v13+s2+$0x0], $0xffff  }
0x9d: {  	s29 =	simm.s32 $0x19440;
	v3 =	vadd.s32 v0, v8;
	v9 =	vadd.s32 s26, v4;
	v5 =	vld.idx.msk [tilespmem:v5+s2+$0x0], $0xffff  }
0x9e: {  	[tilespmem:s29+$0xFFFFFF80] =	vst v14;
	v17 =	vadd.s32 s11, v3;
	v21 =	vld.idx.msk [tilespmem:v15+s2+$0x0], $0xffff  }
0x9f: {  	[tilespmem:s30+$0xFFFFFF10] =	vst v12;
	v15 =	vadd.s32 s3, v2;
	v16 =	vld.idx.msk [tilespmem:v16+s2+$0x0], $0xffff  }
0xa0: {  	v20 =	vadd.s32 s24, v2;
	v14 =	vld.idx.msk [tilespmem:v19+s2+$0x0], $0xffff;
	[tilespmem:s29+$0x0] =	vst v6  }
0xa1: {  	v8 =	vadd.s32 $0x4, v2;
	v18 =	vadd.s32 s13, v3;
	v11 =	vld.idx.msk [tilespmem:v1+s2+$0x0], $0xffff;
	[tilespmem:s29+$0x80] =	vst v10  }
0xa2: {  	v22 =	vadd.s32 s28, v8;
	v9 =	vld.idx.msk [tilespmem:v9+s2+$0x0], $0xffff;
	[tilespmem:s30+$0xA0] =	vst v13  }
0xa3: {  	s31 =	simm.s32 $0xA;
	[tilespmem:s30+$0xFFFFFFA0] =	vst v5;
	v12 =	vld.idx.msk [tilespmem:v17+s2+$0x0], $0xffff;
	v17 =	vadd.s32 s4, v3  }
0xa4: {  	v15 =	vld.idx.msk [tilespmem:v15+s2+$0x0], $0xffff;
	v13 =	vadd.s32 s31, v4;
	[tilespmem:s29+$0xFFFFFF00] =	vst v16  }
0xa5: {  	v16 =	vld.idx.msk [tilespmem:v20+s2+$0x0], $0xffff;
	[tilespmem:s30+$0x20] =	vst v21;
	v21 =	vmov v3  }
0xa6: {  	s10 =	simm.s32 $0xB;
	v19 =	vadd.s32 s3, v1;
	v10 =	vld.idx.msk [tilespmem:v18+s2+$0x0], $0xffff  }
0xa7: {  	s0 =	simm.s32 $0x4;
	s11 =	simm.s32 $0x8;
	s13 =	simm.s32 $0xC;
	v6 =	vadd.s32 $0x4, v1;
	v5 =	vadd.s32 $0x4, v3;
	v20 =	vadd.s32 s25, v1;
	v18 =	vld.idx.msk [tilespmem:v22+s2+$0x0], $0xffff  }
.LBB2_10:
0xa8: {  	p1 =	slt.u32 s13, $0x3C;
	v22 =	vadd.s32 s10, v4;
	v17 =	vld.idx.msk [tilespmem:v17+s2+$0x0], $0xffff;
	[tilespmem:s30+$0xB0] =	vst v12  }
0xa9: {  	v12 =	vadd.s32 s24, v1;
	v23 =	vld.idx.msk [tilespmem:v13+s2+$0x0], $0xffff;
	[tilespmem:s30+$0xFFFFFF20] =	vst v11  }
0xaa: {  	v11 =	vadd.s32 s28, v6;
	[tilespmem:s29+$0x90] =	vst v15;
	v13 =	vld.idx.msk [tilespmem:v21+s2+$0x0], $0xffff  }
0xab: {  	s4 =	sadd.s32 $0x1, s13;
	v15 =	vadd.s32 s0, v7;
	[tilespmem:s29+$0xFFFFFF90] =	vst v14;
	v14 =	vld.idx.msk [tilespmem:v19+s2+$0x0], $0xffff  }
0xac: {  	v19 =	vadd.s32 s4, v4;
	v20 =	vld.idx.msk [tilespmem:v20+s2+$0x0], $0xffff;
	[tilespmem:s29+$0x10] =	vst v16  }
0xad: {  	v16 =	vld.idx.msk [tilespmem:v22+s2+$0x0], $0xffff;
	[tilespmem:s29+$0xFFFFFF10] =	vst v18;
	v18 =	vadd.s32 s3, v3;
	s3 =	smov.u32 s10  }
0xae: {  	v21 =	vadd.s32 s25, v3;
	s25 =	smov.u32 s26;
	s26 =	smov.u32 s4;
	v22 =	vld.idx.msk [tilespmem:v12+s2+$0x0], $0xffff;
	[tilespmem:s30+$0xFFFFFFB0] =	vst v10  }
0xaf: {  	v24 =	vadd.s32 s3, v2;
	v11 =	vld.idx.msk [tilespmem:v11+s2+$0x0], $0xffff;
	[tilespmem:s30+$0x30] =	vst v17  }
0xb0: {  	v26 =	vadd.s32 s25, v2;
	v25 =	vld.idx.msk [tilespmem:v15+s2+$0x0], $0xffff;
	[tilespmem:s30+$0xFFFFFF30] =	vst v13;
	s30 =	smov.u32 s29  }
0xb1: {  	v27 =	vld.idx.msk [tilespmem:v19+s2+$0x0], $0xffff;
	v19 =	vadd.s32 s31, v2;
	[tilespmem:s29+$0xA0] =	vst v14  }
0xb2: {  	v28 =	vadd.s32 s0, v8;
	s29 =	sadd.s32 $0x200, s29;
	[tilespmem:s30+$0xFFFFFFA0] =	vst v20;
	v12 =	vld.idx.msk [tilespmem:v18+s2+$0x0], $0xffff  }
.Ltmp6:
0xb3: {  	v17 =	vadd.s32 s24, v3;
	s24 =	smov.u32 s31;
	s31 =	sadd.s32 $0x2, s13;
	[tilespmem:s29+$0x80] =	vst v16;
	v10 =	vld.idx.msk [tilespmem:v21+s2+$0x0], $0xffff;
	(pc) =	sbr.rel @p1 .LBB2_10-.Ltmp6, $4  }
0xb4: {  	v13 =	vadd.s32 s31, v4;
	[tilespmem:s29+$0xFFFFFF80] =	vst v9;
	v15 =	vld.idx.msk [tilespmem:v24+s2+$0x0], $0xffff  }
0xb5: {  	v21 =	vadd.s32 s28, v5;
	s28 =	smov.u32 s0;
	s0 =	smov.u32 s11;
	s11 =	smov.u32 s13;
	v14 =	vld.idx.msk [tilespmem:v26+s2+$0x0], $0xffff;
	[tilespmem:s29+$0x0] =	vst v23  }
0xb6: {  	[tilespmem:s29+$0xFFFFFF00] =	vst v25;
	v16 =	vld.idx.msk [tilespmem:v19+s2+$0x0], $0xffff;
	v19 =	vadd.s32 s3, v1  }
0xb7: {  	v20 =	vadd.s32 s25, v1;
	s13 =	sadd.s32 $0x4, s13;
	s10 =	sadd.s32 $0x3, s11;
	v9 =	vmov v27;
	v18 =	vld.idx.msk [tilespmem:v28+s2+$0x0], $0xffff;
	[tilespmem:s30+$0x20] =	vst v22  }
0xb8: {  	_ = 	snop  }
0xb9: {  	[tilespmem:s30+$0xB0] =	vst v12  }
0xba: {  	v4 =	vadd.s32 s10, v4;
	[tilespmem:s30+$0xFFFFFF20] =	vst v11  }
0xbb: {  	[tilespmem:s30+$0xFFFFFFB0] =	vst v10  }
0xbc: {  	v11 =	vld.idx.msk [tilespmem:v17+s2+$0x0], $0xffff;
	s6 =	sadd.s32 $0x200, s29;
	[tilespmem:s29+$0x90] =	vst v15  }
0xbd: {  	v7 =	vadd.s32 s0, v7;
	v12 =	vld.idx.msk [tilespmem:v21+s2+$0x0], $0xffff;
	[tilespmem:s6+$0xFFFFFF80] =	vst v9  }
0xbe: {  	v15 =	vadd.s32 s24, v1;
	[tilespmem:s29+$0xFFFFFF90] =	vst v14;
	v14 =	vld.idx.msk [tilespmem:v19+s2+$0x0], $0xffff  }
0xbf: {  	v17 =	vadd.s32 s3, v3;
	[tilespmem:s29+$0x10] =	vst v16;
	v4 =	vld.idx.msk [tilespmem:v4+s2+$0x0], $0xffff  }
0xc0: {  	v10 =	vadd.s32 s10, v2;
	v16 =	vld.idx.msk [tilespmem:v20+s2+$0x0], $0xffff;
	[tilespmem:s29+$0xFFFFFF10] =	vst v18  }
0xc1: {  	[tilespmem:s30+$0x30] =	vst v11;
	v11 =	vld.idx.msk [tilespmem:v13+s2+$0x0], $0xffff;
	v13 =	vadd.s32 s26, v2  }
0xc2: {  	v7 =	vld.idx.msk [tilespmem:v7+s2+$0x0], $0xffff;
	v2 =	vadd.s32 s31, v2;
	[tilespmem:s30+$0xFFFFFF30] =	vst v12  }
0xc3: {  	v8 =	vadd.s32 s0, v8;
	v12 =	vld.idx.msk [tilespmem:v15+s2+$0x0], $0xffff;
	[tilespmem:s29+$0xA0] =	vst v14  }
0xc4: {  	v14 =	vadd.s32 s28, v6;
	v15 =	vld.idx.msk [tilespmem:v17+s2+$0x0], $0xffff;
	[tilespmem:s6+$0x80] =	vst v4  }
0xc5: {  	[tilespmem:s29+$0xFFFFFFA0] =	vst v16;
	v4 =	vadd.s32 s25, v3;
	v9 =	vld.idx.msk [tilespmem:v10+s2+$0x0], $0xffff  }
0xc6: {  	[tilespmem:s6+$0x0] =	vst v11;
	v11 =	vadd.s32 s10, v1;
	v10 =	vld.idx.msk [tilespmem:v13+s2+$0x0], $0xffff  }
0xc7: {  	[tilespmem:s6+$0xFFFFFF00] =	vst v7;
	v7 =	vadd.s32 s26, v1;
	v2 =	vld.idx.msk [tilespmem:v2+s2+$0x0], $0xffff  }
0xc8: {  	v1 =	vadd.s32 s31, v1;
	v8 =	vld.idx.msk [tilespmem:v8+s2+$0x0], $0xffff;
	[tilespmem:s29+$0x20] =	vst v12  }
0xc9: {  	v6 =	vadd.s32 s0, v6;
	v12 =	vld.idx.msk [tilespmem:v14+s2+$0x0], $0xffff;
	[tilespmem:s29+$0xB0] =	vst v15  }
0xca: {  	v13 =	vadd.s32 s24, v3;
	v4 =	vld.idx.msk [tilespmem:v4+s2+$0x0], $0xffff;
	[tilespmem:s6+$0x90] =	vst v9  }
0xcb: {  	v9 =	vadd.s32 s28, v5;
	[tilespmem:s6+$0xFFFFFF90] =	vst v10;
	v10 =	vld.idx.msk [tilespmem:v11+s2+$0x0], $0xffff  }
0xcc: {  	[tilespmem:s6+$0x10] =	vst v2;
	v2 =	vadd.s32 s10, v3;
	v7 =	vld.idx.msk [tilespmem:v7+s2+$0x0], $0xffff  }
0xcd: {  	[tilespmem:s6+$0xFFFFFF10] =	vst v8;
	v8 =	vadd.s32 s26, v3;
	v1 =	vld.idx.msk [tilespmem:v1+s2+$0x0], $0xffff  }
0xce: {  	v3 =	vadd.s32 s31, v3;
	[tilespmem:s29+$0xFFFFFF20] =	vst v12;
	v6 =	vld.idx.msk [tilespmem:v6+s2+$0x0], $0xffff  }
0xcf: {  	v11 =	vld.idx.msk [tilespmem:v13+s2+$0x0], $0xffff;
	[tilespmem:s29+$0xFFFFFFB0] =	vst v4;
	v4 =	vadd.s32 s0, v5  }
0xd0: {  	v5 =	vld.idx.msk [tilespmem:v9+s2+$0x0], $0xffff;
	[tilespmem:s6+$0xA0] =	vst v10  }
0xd1: {  	[tilespmem:s6+$0xFFFFFFA0] =	vst v7;
	v2 =	vld.idx.msk [tilespmem:v2+s2+$0x0], $0xffff  }
0xd2: {  	[tilespmem:s6+$0x20] =	vst v1;
	v7 =	vld.idx.msk [tilespmem:v8+s2+$0x0], $0xffff  }
0xd3: {  	[tilespmem:s6+$0xFFFFFF20] =	vst v6;
	v1 =	vld.idx.msk [tilespmem:v3+s2+$0x0], $0xffff  }
0xd4: {  	[tilespmem:s29+$0x30] =	vst v11;
	v3 =	vld.idx.msk [tilespmem:v4+s2+$0x0], $0xffff  }
0xd5: {  	[tilespmem:s29+$0xFFFFFF30] =	vst v5  }
0xd6: {  	[tilespmem:s6+$0xB0] =	vst v2  }
0xd7: {  	[tilespmem:s6+$0xFFFFFFB0] =	vst v7  }
0xd8: {  	s24 =	sshll.u32 s22, $0x11;
	[tilespmem:s6+$0x30] =	vst v1  }
0xd9: {  	s10 =	sadd.s32 s24, s8;
	s0 =	simm.s32 @!p0 $0x2;
	[tilespmem:s6+$0xFFFFFF30] =	vst v3  }
0xda: {  	[hbm4b:s10+s17] =	stream.strided.scatter [tilespmem:s18], [sflag:$0x1], $0x2000, s12, s17, $0x38;
	[tilespmem:$0x1D100] =	vst v63  }
0xdb: {  	_ =	swait.ge @!p0 [sflag:s0], $0x2000  }
0xdc: {  	[sflag:s0] =	ssyncset.done @!p0 $0x0  }
0xdd: {  	[sflag:s0] =	ssyncadd.s32 @!p0 $0xFFFFE000  }
0xde: {  	v1 =	vld [tilespmem:s23+$0x400];
	_ =	sdelay $0x4  }
0xdf: {  	v1 =	vmul.u32 $0x41, v1;
	_ =	sdelay $0x1  }
0xe0: {  	s11 =	simm.s32 $0x3;
	v2 =	vld [tilespmem:s23+$0x410];
	v4 =	vadd.s32 v0, v1  }
0xe1: {  	s13 =	simm.s32 $0x1;
	v1 =	vadd.s32 s11, v4  }
0xe2: {  	s4 =	simm.s32 $0x2;
	v3 =	vadd.s32 s13, v4  }
0xe3: {  	v5 =	vadd.s32 s4, v4;
	_ =	sdelay $0x1  }
0xe4: {  	v6 =	vld [tilespmem:s23+$0x420];
	v2 =	vmul.u32 $0x41, v2  }
0xe5: {  	s26 =	simm.s32 $0x5;
	v1 =	vld.idx.msk [tilespmem:v1+s2+$0x0], $0xffff  }
0xe6: {  	v2 =	vadd.s32 v0, v2;
	v10 =	vadd.s32 s26, v4;
	v3 =	vld.idx.msk [tilespmem:v3+s2+$0x0], $0xffff  }
0xe7: {  	v7 =	vadd.s32 s11, v2;
	v5 =	vld.idx.msk [tilespmem:v5+s2+$0x0], $0xffff  }
0xe8: {  	v12 =	vadd.s32 s4, v2;
	v11 =	vld.idx.msk [tilespmem:v4+s2+$0x0], $0xffff  }
0xe9: {  	s31 =	simm.s32 $0x1B2B0;
	v9 =	vadd.s32 s13, v2  }
0xea: {  	v8 =	vld [tilespmem:s23+$0x430];
	v6 =	vmul.u32 $0x41, v6;
	[tilespmem:s31+$0xFFFFFFD0] =	vst v1  }
0xeb: {  	s25 =	simm.s32 $0x6;
	v14 =	vld.idx.msk [tilespmem:v10+s2+$0x0], $0xffff;
	[tilespmem:s31+$0xFFFFFED0] =	vst v3  }
0xec: {  	s10 =	simm.s32 $0x7;
	v1 =	vadd.s32 v0, v6;
	v6 =	vadd.s32 s25, v4;
	[tilespmem:s31+$0xFFFFFF50] =	vst v5;
	v3 =	vld.idx.msk [tilespmem:v7+s2+$0x0], $0xffff  }
0xed: {  	[tilespmem:s31+$0xFFFFFE50] =	vst v11;
	v11 =	vadd.s32 s10, v4;
	v10 =	vld.idx.msk [tilespmem:v12+s2+$0x0], $0xffff  }
0xee: {  	v9 =	vld.idx.msk [tilespmem:v9+s2+$0x0], $0xffff;
	v13 =	vadd.s32 s11, v1  }
0xef: {  	v5 =	vadd.s32 s13, v1  }
0xf0: {  	s29 =	simm.s32 $0x0;
	v12 =	vld.idx.msk [tilespmem:v2+s2+$0x0], $0xffff;
	v15 =	vadd.s32 s4, v1;
	v7 =	vadd.s32 $0x4, v4  }
0xf1: {  	v16 =	vadd.s32 s29, v7;
	v6 =	vld.idx.msk [tilespmem:v6+s2+$0x0], $0xffff;
	[tilespmem:s31+$0xFFFFFFE0] =	vst v3  }
0xf2: {  	v8 =	vmul.u32 $0x41, v8;
	v19 =	vadd.s32 s26, v2;
	[tilespmem:s31+$0xFFFFFF60] =	vst v10;
	v10 =	vld.idx.msk [tilespmem:v11+s2+$0x0], $0xffff  }
0xf3: {  	s28 =	simm.s32 $0x9;
	[tilespmem:s31+$0xFFFFFEE0] =	vst v9;
	v13 =	vld.idx.msk [tilespmem:v13+s2+$0x0], $0xffff  }
0xf4: {  	s30 =	simm.s32 $0x1B4B0;
	v3 =	vadd.s32 v0, v8;
	v9 =	vadd.s32 s28, v4;
	v5 =	vld.idx.msk [tilespmem:v5+s2+$0x0], $0xffff  }
0xf5: {  	[tilespmem:s30+$0xFFFFFED0] =	vst v14;
	v17 =	vadd.s32 s11, v3;
	v21 =	vld.idx.msk [tilespmem:v15+s2+$0x0], $0xffff  }
0xf6: {  	[tilespmem:s31+$0xFFFFFE60] =	vst v12;
	v15 =	vadd.s32 s10, v2;
	v16 =	vld.idx.msk [tilespmem:v16+s2+$0x0], $0xffff  }
0xf7: {  	v20 =	vadd.s32 s25, v2;
	v14 =	vld.idx.msk [tilespmem:v19+s2+$0x0], $0xffff;
	[tilespmem:s30+$0xFFFFFF50] =	vst v6  }
0xf8: {  	v8 =	vadd.s32 $0x4, v2;
	v18 =	vadd.s32 s13, v3;
	v11 =	vld.idx.msk [tilespmem:v1+s2+$0x0], $0xffff;
	[tilespmem:s30+$0xFFFFFFD0] =	vst v10  }
0xf9: {  	v22 =	vadd.s32 s29, v8;
	v9 =	vld.idx.msk [tilespmem:v9+s2+$0x0], $0xffff;
	[tilespmem:s31+$0xFFFFFFF0] =	vst v13  }
0xfa: {  	s0 =	simm.s32 $0xA;
	[tilespmem:s31+$0xFFFFFEF0] =	vst v5;
	v12 =	vld.idx.msk [tilespmem:v17+s2+$0x0], $0xffff;
	v17 =	vadd.s32 s4, v3  }
0xfb: {  	v15 =	vld.idx.msk [tilespmem:v15+s2+$0x0], $0xffff;
	v13 =	vadd.s32 s0, v4;
	[tilespmem:s30+$0xFFFFFE50] =	vst v16  }
0xfc: {  	v16 =	vld.idx.msk [tilespmem:v20+s2+$0x0], $0xffff;
	[tilespmem:s31+$0xFFFFFF70] =	vst v21;
	v21 =	vmov v3  }
0xfd: {  	s3 =	simm.s32 $0x4;
	v19 =	vadd.s32 s10, v1;
	v10 =	vld.idx.msk [tilespmem:v18+s2+$0x0], $0xffff  }
0xfe: {  	s13 =	simm.s32 $0x8;
	s11 =	simm.s32 $0xB;
	v6 =	vadd.s32 $0x4, v1;
	v5 =	vadd.s32 $0x4, v3;
	v20 =	vadd.s32 s26, v1;
	s4 =	simm.s32 $0xC;
	v18 =	vld.idx.msk [tilespmem:v22+s2+$0x0], $0xffff  }
.LBB2_12:
0xff: {  	p0 =	slt.u32 s4, $0x3C;
	v22 =	vadd.s32 s11, v4;
	v17 =	vld.idx.msk [tilespmem:v17+s2+$0x0], $0xffff;
	[tilespmem:s31+$0x0] =	vst v12  }
0x100: {  	v12 =	vadd.s32 s25, v1;
	v23 =	vld.idx.msk [tilespmem:v13+s2+$0x0], $0xffff;
	[tilespmem:s31+$0xFFFFFE70] =	vst v11  }
0x101: {  	v11 =	vadd.s32 s29, v6;
	[tilespmem:s30+$0xFFFFFFE0] =	vst v15;
	v13 =	vld.idx.msk [tilespmem:v21+s2+$0x0], $0xffff  }
0x102: {  	s6 =	sadd.s32 $0x1, s4;
	v15 =	vadd.s32 s3, v7;
	[tilespmem:s30+$0xFFFFFEE0] =	vst v14;
	v14 =	vld.idx.msk [tilespmem:v19+s2+$0x0], $0xffff  }
0x103: {  	v19 =	vadd.s32 s6, v4;
	v20 =	vld.idx.msk [tilespmem:v20+s2+$0x0], $0xffff;
	[tilespmem:s30+$0xFFFFFF60] =	vst v16  }
0x104: {  	v16 =	vld.idx.msk [tilespmem:v22+s2+$0x0], $0xffff;
	[tilespmem:s30+$0xFFFFFE60] =	vst v18;
	v18 =	vadd.s32 s10, v3;
	s10 =	smov.u32 s11  }
0x105: {  	v21 =	vadd.s32 s26, v3;
	s26 =	smov.u32 s28;
	s28 =	smov.u32 s6;
	v22 =	vld.idx.msk [tilespmem:v12+s2+$0x0], $0xffff;
	[tilespmem:s31+$0xFFFFFF00] =	vst v10  }
0x106: {  	v24 =	vadd.s32 s10, v2;
	v11 =	vld.idx.msk [tilespmem:v11+s2+$0x0], $0xffff;
	[tilespmem:s31+$0xFFFFFF80] =	vst v17  }
0x107: {  	v26 =	vadd.s32 s26, v2;
	v25 =	vld.idx.msk [tilespmem:v15+s2+$0x0], $0xffff;
	[tilespmem:s31+$0xFFFFFE80] =	vst v13;
	s31 =	smov.u32 s30  }
0x108: {  	v27 =	vld.idx.msk [tilespmem:v19+s2+$0x0], $0xffff;
	v19 =	vadd.s32 s0, v2;
	[tilespmem:s30+$0xFFFFFFF0] =	vst v14  }
0x109: {  	v28 =	vadd.s32 s3, v8;
	s30 =	sadd.s32 $0x200, s30;
	[tilespmem:s31+$0xFFFFFEF0] =	vst v20;
	v12 =	vld.idx.msk [tilespmem:v18+s2+$0x0], $0xffff  }
.Ltmp7:
0x10a: {  	v17 =	vadd.s32 s25, v3;
	s25 =	smov.u32 s0;
	s0 =	sadd.s32 $0x2, s4;
	[tilespmem:s30+$0xFFFFFFD0] =	vst v16;
	v10 =	vld.idx.msk [tilespmem:v21+s2+$0x0], $0xffff;
	(pc) =	sbr.rel @p0 .LBB2_12-.Ltmp7, $4  }
0x10b: {  	v13 =	vadd.s32 s0, v4;
	[tilespmem:s30+$0xFFFFFED0] =	vst v9;
	v15 =	vld.idx.msk [tilespmem:v24+s2+$0x0], $0xffff  }
0x10c: {  	v21 =	vadd.s32 s29, v5;
	s29 =	smov.u32 s3;
	s3 =	smov.u32 s13;
	s13 =	smov.u32 s4;
	v14 =	vld.idx.msk [tilespmem:v26+s2+$0x0], $0xffff;
	[tilespmem:s30+$0xFFFFFF50] =	vst v23  }
0x10d: {  	[tilespmem:s30+$0xFFFFFE50] =	vst v25;
	v16 =	vld.idx.msk [tilespmem:v19+s2+$0x0], $0xffff;
	v19 =	vadd.s32 s10, v1  }
0x10e: {  	v20 =	vadd.s32 s26, v1;
	s4 =	sadd.s32 $0x4, s4;
	s11 =	sadd.s32 $0x3, s13;
	v9 =	vmov v27;
	v18 =	vld.idx.msk [tilespmem:v28+s2+$0x0], $0xffff;
	[tilespmem:s31+$0xFFFFFF70] =	vst v22  }
0x10f: {  	_ = 	snop  }
0x110: {  	[tilespmem:s31+$0x0] =	vst v12  }
0x111: {  	v4 =	vadd.s32 s11, v4;
	[tilespmem:s31+$0xFFFFFE70] =	vst v11  }
0x112: {  	[tilespmem:s31+$0xFFFFFF00] =	vst v10  }
0x113: {  	v11 =	vld.idx.msk [tilespmem:v17+s2+$0x0], $0xffff;
	s4 =	sadd.s32 $0x200, s30;
	[tilespmem:s30+$0xFFFFFFE0] =	vst v15  }
0x114: {  	v7 =	vadd.s32 s3, v7;
	v12 =	vld.idx.msk [tilespmem:v21+s2+$0x0], $0xffff;
	[tilespmem:s4+$0xFFFFFED0] =	vst v9  }
0x115: {  	v15 =	vadd.s32 s25, v1;
	[tilespmem:s30+$0xFFFFFEE0] =	vst v14;
	v14 =	vld.idx.msk [tilespmem:v19+s2+$0x0], $0xffff  }
0x116: {  	v17 =	vadd.s32 s10, v3;
	[tilespmem:s30+$0xFFFFFF60] =	vst v16;
	v4 =	vld.idx.msk [tilespmem:v4+s2+$0x0], $0xffff  }
0x117: {  	v10 =	vadd.s32 s11, v2;
	v16 =	vld.idx.msk [tilespmem:v20+s2+$0x0], $0xffff;
	[tilespmem:s30+$0xFFFFFE60] =	vst v18  }
0x118: {  	[tilespmem:s31+$0xFFFFFF80] =	vst v11;
	v11 =	vld.idx.msk [tilespmem:v13+s2+$0x0], $0xffff;
	v13 =	vadd.s32 s28, v2  }
0x119: {  	v7 =	vld.idx.msk [tilespmem:v7+s2+$0x0], $0xffff;
	v2 =	vadd.s32 s0, v2;
	[tilespmem:s31+$0xFFFFFE80] =	vst v12  }
0x11a: {  	v8 =	vadd.s32 s3, v8;
	v12 =	vld.idx.msk [tilespmem:v15+s2+$0x0], $0xffff;
	[tilespmem:s30+$0xFFFFFFF0] =	vst v14  }
0x11b: {  	v14 =	vadd.s32 s29, v6;
	v15 =	vld.idx.msk [tilespmem:v17+s2+$0x0], $0xffff;
	[tilespmem:s4+$0xFFFFFFD0] =	vst v4  }
0x11c: {  	[tilespmem:s30+$0xFFFFFEF0] =	vst v16;
	v4 =	vadd.s32 s26, v3;
	v9 =	vld.idx.msk [tilespmem:v10+s2+$0x0], $0xffff  }
0x11d: {  	[tilespmem:s4+$0xFFFFFF50] =	vst v11;
	v11 =	vadd.s32 s11, v1;
	v10 =	vld.idx.msk [tilespmem:v13+s2+$0x0], $0xffff  }
0x11e: {  	[tilespmem:s4+$0xFFFFFE50] =	vst v7;
	v7 =	vadd.s32 s28, v1;
	v2 =	vld.idx.msk [tilespmem:v2+s2+$0x0], $0xffff  }
0x11f: {  	v1 =	vadd.s32 s0, v1;
	v8 =	vld.idx.msk [tilespmem:v8+s2+$0x0], $0xffff;
	[tilespmem:s30+$0xFFFFFF70] =	vst v12  }
0x120: {  	v6 =	vadd.s32 s3, v6;
	v12 =	vld.idx.msk [tilespmem:v14+s2+$0x0], $0xffff;
	[tilespmem:s30+$0x0] =	vst v15  }
0x121: {  	v13 =	vadd.s32 s25, v3;
	v4 =	vld.idx.msk [tilespmem:v4+s2+$0x0], $0xffff;
	[tilespmem:s4+$0xFFFFFFE0] =	vst v9  }
0x122: {  	v9 =	vadd.s32 s29, v5;
	[tilespmem:s4+$0xFFFFFEE0] =	vst v10;
	v10 =	vld.idx.msk [tilespmem:v11+s2+$0x0], $0xffff  }
0x123: {  	[tilespmem:s4+$0xFFFFFF60] =	vst v2;
	v2 =	vadd.s32 s11, v3;
	v7 =	vld.idx.msk [tilespmem:v7+s2+$0x0], $0xffff  }
0x124: {  	[tilespmem:s4+$0xFFFFFE60] =	vst v8;
	v8 =	vadd.s32 s28, v3;
	v1 =	vld.idx.msk [tilespmem:v1+s2+$0x0], $0xffff  }
0x125: {  	v3 =	vadd.s32 s0, v3;
	[tilespmem:s30+$0xFFFFFE70] =	vst v12;
	v6 =	vld.idx.msk [tilespmem:v6+s2+$0x0], $0xffff  }
0x126: {  	v11 =	vld.idx.msk [tilespmem:v13+s2+$0x0], $0xffff;
	[tilespmem:s30+$0xFFFFFF00] =	vst v4;
	v4 =	vadd.s32 s3, v5  }
0x127: {  	v5 =	vld.idx.msk [tilespmem:v9+s2+$0x0], $0xffff;
	[tilespmem:s4+$0xFFFFFFF0] =	vst v10  }
0x128: {  	[tilespmem:s4+$0xFFFFFEF0] =	vst v7;
	v2 =	vld.idx.msk [tilespmem:v2+s2+$0x0], $0xffff  }
0x129: {  	[tilespmem:s4+$0xFFFFFF70] =	vst v1;
	v7 =	vld.idx.msk [tilespmem:v8+s2+$0x0], $0xffff  }
0x12a: {  	[tilespmem:s4+$0xFFFFFE70] =	vst v6;
	v1 =	vld.idx.msk [tilespmem:v3+s2+$0x0], $0xffff  }
0x12b: {  	[tilespmem:s30+$0xFFFFFF80] =	vst v11;
	v3 =	vld.idx.msk [tilespmem:v4+s2+$0x0], $0xffff  }
0x12c: {  	[tilespmem:s30+$0xFFFFFE80] =	vst v5  }
0x12d: {  	[tilespmem:s4+$0x0] =	vst v2  }
0x12e: {  	[tilespmem:s4+$0xFFFFFF00] =	vst v7  }
0x12f: {  	[tilespmem:s4+$0xFFFFFF80] =	vst v1  }
0x130: {  	[tilespmem:s4+$0xFFFFFE80] =	vst v3  }
0x131: {  	v1 =	vld [tilespmem:s23+$0x440];
	_ =	sdelay $0x4  }
0x132: {  	v1 =	vmul.u32 $0x41, v1;
	_ =	sdelay $0x1  }
0x133: {  	s6 =	simm.s32 $0x3;
	v2 =	vld [tilespmem:s23+$0x450];
	v4 =	vadd.s32 v0, v1  }
0x134: {  	s11 =	simm.s32 $0x1;
	v1 =	vadd.s32 s6, v4  }
0x135: {  	s13 =	simm.s32 $0x2;
	v3 =	vadd.s32 s11, v4  }
0x136: {  	v5 =	vadd.s32 s13, v4;
	_ =	sdelay $0x1  }
0x137: {  	v6 =	vld [tilespmem:s23+$0x460];
	v2 =	vmul.u32 $0x41, v2  }
0x138: {  	s26 =	simm.s32 $0x5;
	v1 =	vld.idx.msk [tilespmem:v1+s2+$0x0], $0xffff  }
0x139: {  	v2 =	vadd.s32 v0, v2;
	v10 =	vadd.s32 s26, v4;
	v3 =	vld.idx.msk [tilespmem:v3+s2+$0x0], $0xffff  }
0x13a: {  	v7 =	vadd.s32 s6, v2;
	v5 =	vld.idx.msk [tilespmem:v5+s2+$0x0], $0xffff  }
0x13b: {  	v12 =	vadd.s32 s13, v2;
	v11 =	vld.idx.msk [tilespmem:v4+s2+$0x0], $0xffff  }
0x13c: {  	s31 =	simm.s32 $0x1B2F0;
	v9 =	vadd.s32 s11, v2  }
0x13d: {  	v8 =	vld [tilespmem:s23+$0x470];
	v6 =	vmul.u32 $0x41, v6;
	[tilespmem:s31+$0xFFFFFFD0] =	vst v1  }
0x13e: {  	s25 =	simm.s32 $0x6;
	v14 =	vld.idx.msk [tilespmem:v10+s2+$0x0], $0xffff;
	[tilespmem:s31+$0xFFFFFED0] =	vst v3  }
0x13f: {  	s10 =	simm.s32 $0x7;
	v1 =	vadd.s32 v0, v6;
	v6 =	vadd.s32 s25, v4;
	[tilespmem:s31+$0xFFFFFF50] =	vst v5;
	v3 =	vld.idx.msk [tilespmem:v7+s2+$0x0], $0xffff  }
0x140: {  	[tilespmem:s31+$0xFFFFFE50] =	vst v11;
	v11 =	vadd.s32 s10, v4;
	v10 =	vld.idx.msk [tilespmem:v12+s2+$0x0], $0xffff  }
0x141: {  	v9 =	vld.idx.msk [tilespmem:v9+s2+$0x0], $0xffff;
	v13 =	vadd.s32 s6, v1  }
0x142: {  	v5 =	vadd.s32 s11, v1  }
0x143: {  	s29 =	simm.s32 $0x0;
	v12 =	vld.idx.msk [tilespmem:v2+s2+$0x0], $0xffff;
	v15 =	vadd.s32 s13, v1;
	v7 =	vadd.s32 $0x4, v4  }
0x144: {  	v16 =	vadd.s32 s29, v7;
	v6 =	vld.idx.msk [tilespmem:v6+s2+$0x0], $0xffff;
	[tilespmem:s31+$0xFFFFFFE0] =	vst v3  }
0x145: {  	v8 =	vmul.u32 $0x41, v8;
	v19 =	vadd.s32 s26, v2;
	[tilespmem:s31+$0xFFFFFF60] =	vst v10;
	v10 =	vld.idx.msk [tilespmem:v11+s2+$0x0], $0xffff  }
0x146: {  	s28 =	simm.s32 $0x9;
	[tilespmem:s31+$0xFFFFFEE0] =	vst v9;
	v13 =	vld.idx.msk [tilespmem:v13+s2+$0x0], $0xffff  }
0x147: {  	s30 =	simm.s32 $0x1B4F0;
	v3 =	vadd.s32 v0, v8;
	v9 =	vadd.s32 s28, v4;
	v5 =	vld.idx.msk [tilespmem:v5+s2+$0x0], $0xffff  }
0x148: {  	[tilespmem:s30+$0xFFFFFED0] =	vst v14;
	v17 =	vadd.s32 s6, v3;
	v21 =	vld.idx.msk [tilespmem:v15+s2+$0x0], $0xffff  }
0x149: {  	[tilespmem:s31+$0xFFFFFE60] =	vst v12;
	v15 =	vadd.s32 s10, v2;
	v16 =	vld.idx.msk [tilespmem:v16+s2+$0x0], $0xffff  }
0x14a: {  	v20 =	vadd.s32 s25, v2;
	v14 =	vld.idx.msk [tilespmem:v19+s2+$0x0], $0xffff;
	[tilespmem:s30+$0xFFFFFF50] =	vst v6  }
0x14b: {  	v8 =	vadd.s32 $0x4, v2;
	v18 =	vadd.s32 s11, v3;
	v11 =	vld.idx.msk [tilespmem:v1+s2+$0x0], $0xffff;
	[tilespmem:s30+$0xFFFFFFD0] =	vst v10  }
0x14c: {  	v22 =	vadd.s32 s29, v8;
	v9 =	vld.idx.msk [tilespmem:v9+s2+$0x0], $0xffff;
	[tilespmem:s31+$0xFFFFFFF0] =	vst v13  }
0x14d: {  	s0 =	simm.s32 $0xA;
	[tilespmem:s31+$0xFFFFFEF0] =	vst v5;
	v12 =	vld.idx.msk [tilespmem:v17+s2+$0x0], $0xffff;
	v17 =	vadd.s32 s13, v3  }
0x14e: {  	v15 =	vld.idx.msk [tilespmem:v15+s2+$0x0], $0xffff;
	v13 =	vadd.s32 s0, v4;
	[tilespmem:s30+$0xFFFFFE50] =	vst v16  }
0x14f: {  	v16 =	vld.idx.msk [tilespmem:v20+s2+$0x0], $0xffff;
	[tilespmem:s31+$0xFFFFFF70] =	vst v21;
	v21 =	vmov v3  }
0x150: {  	s3 =	simm.s32 $0x4;
	v19 =	vadd.s32 s10, v1;
	v10 =	vld.idx.msk [tilespmem:v18+s2+$0x0], $0xffff  }
0x151: {  	s4 =	simm.s32 $0xC;
	s11 =	simm.s32 $0xB;
	v6 =	vadd.s32 $0x4, v1;
	v5 =	vadd.s32 $0x4, v3;
	v20 =	vadd.s32 s26, v1;
	s13 =	simm.s32 $0x8;
	v18 =	vld.idx.msk [tilespmem:v22+s2+$0x0], $0xffff  }
.LBB2_14:
0x152: {  	p0 =	slt.u32 s4, $0x3C;
	v22 =	vadd.s32 s11, v4;
	v17 =	vld.idx.msk [tilespmem:v17+s2+$0x0], $0xffff;
	[tilespmem:s31+$0x0] =	vst v12  }
0x153: {  	v12 =	vadd.s32 s25, v1;
	v23 =	vld.idx.msk [tilespmem:v13+s2+$0x0], $0xffff;
	[tilespmem:s31+$0xFFFFFE70] =	vst v11  }
0x154: {  	v11 =	vadd.s32 s29, v6;
	[tilespmem:s30+$0xFFFFFFE0] =	vst v15;
	v13 =	vld.idx.msk [tilespmem:v21+s2+$0x0], $0xffff  }
0x155: {  	s6 =	sadd.s32 $0x1, s4;
	v15 =	vadd.s32 s3, v7;
	[tilespmem:s30+$0xFFFFFEE0] =	vst v14;
	v14 =	vld.idx.msk [tilespmem:v19+s2+$0x0], $0xffff  }
0x156: {  	v19 =	vadd.s32 s6, v4;
	v20 =	vld.idx.msk [tilespmem:v20+s2+$0x0], $0xffff;
	[tilespmem:s30+$0xFFFFFF60] =	vst v16  }
0x157: {  	v16 =	vld.idx.msk [tilespmem:v22+s2+$0x0], $0xffff;
	[tilespmem:s30+$0xFFFFFE60] =	vst v18;
	v18 =	vadd.s32 s10, v3;
	s10 =	smov.u32 s11  }
0x158: {  	v21 =	vadd.s32 s26, v3;
	s26 =	smov.u32 s28;
	s28 =	smov.u32 s6;
	v22 =	vld.idx.msk [tilespmem:v12+s2+$0x0], $0xffff;
	[tilespmem:s31+$0xFFFFFF00] =	vst v10  }
0x159: {  	v24 =	vadd.s32 s10, v2;
	v11 =	vld.idx.msk [tilespmem:v11+s2+$0x0], $0xffff;
	[tilespmem:s31+$0xFFFFFF80] =	vst v17  }
0x15a: {  	v26 =	vadd.s32 s26, v2;
	v25 =	vld.idx.msk [tilespmem:v15+s2+$0x0], $0xffff;
	[tilespmem:s31+$0xFFFFFE80] =	vst v13;
	s31 =	smov.u32 s30  }
0x15b: {  	v27 =	vld.idx.msk [tilespmem:v19+s2+$0x0], $0xffff;
	v19 =	vadd.s32 s0, v2;
	[tilespmem:s30+$0xFFFFFFF0] =	vst v14  }
0x15c: {  	v28 =	vadd.s32 s3, v8;
	s30 =	sadd.s32 $0x200, s30;
	[tilespmem:s31+$0xFFFFFEF0] =	vst v20;
	v12 =	vld.idx.msk [tilespmem:v18+s2+$0x0], $0xffff  }
.Ltmp8:
0x15d: {  	v17 =	vadd.s32 s25, v3;
	s25 =	smov.u32 s0;
	s0 =	sadd.s32 $0x2, s4;
	[tilespmem:s30+$0xFFFFFFD0] =	vst v16;
	v10 =	vld.idx.msk [tilespmem:v21+s2+$0x0], $0xffff;
	(pc) =	sbr.rel @p0 .LBB2_14-.Ltmp8, $4  }
0x15e: {  	v13 =	vadd.s32 s0, v4;
	[tilespmem:s30+$0xFFFFFED0] =	vst v9;
	v15 =	vld.idx.msk [tilespmem:v24+s2+$0x0], $0xffff  }
0x15f: {  	v21 =	vadd.s32 s29, v5;
	s29 =	smov.u32 s3;
	s3 =	smov.u32 s13;
	s13 =	smov.u32 s4;
	v14 =	vld.idx.msk [tilespmem:v26+s2+$0x0], $0xffff;
	[tilespmem:s30+$0xFFFFFF50] =	vst v23  }
0x160: {  	[tilespmem:s30+$0xFFFFFE50] =	vst v25;
	v16 =	vld.idx.msk [tilespmem:v19+s2+$0x0], $0xffff;
	v19 =	vadd.s32 s10, v1  }
0x161: {  	v20 =	vadd.s32 s26, v1;
	s4 =	sadd.s32 $0x4, s4;
	s11 =	sadd.s32 $0x3, s13;
	v9 =	vmov v27;
	v18 =	vld.idx.msk [tilespmem:v28+s2+$0x0], $0xffff;
	[tilespmem:s31+$0xFFFFFF70] =	vst v22  }
0x162: {  	_ = 	snop  }
0x163: {  	[tilespmem:s31+$0x0] =	vst v12  }
0x164: {  	v4 =	vadd.s32 s11, v4;
	[tilespmem:s31+$0xFFFFFE70] =	vst v11  }
0x165: {  	[tilespmem:s31+$0xFFFFFF00] =	vst v10  }
0x166: {  	v11 =	vld.idx.msk [tilespmem:v17+s2+$0x0], $0xffff;
	s4 =	sadd.s32 $0x200, s30;
	[tilespmem:s30+$0xFFFFFFE0] =	vst v15  }
0x167: {  	v7 =	vadd.s32 s3, v7;
	v12 =	vld.idx.msk [tilespmem:v21+s2+$0x0], $0xffff;
	[tilespmem:s4+$0xFFFFFED0] =	vst v9  }
0x168: {  	v15 =	vadd.s32 s25, v1;
	[tilespmem:s30+$0xFFFFFEE0] =	vst v14;
	v14 =	vld.idx.msk [tilespmem:v19+s2+$0x0], $0xffff  }
0x169: {  	v17 =	vadd.s32 s10, v3;
	[tilespmem:s30+$0xFFFFFF60] =	vst v16;
	v4 =	vld.idx.msk [tilespmem:v4+s2+$0x0], $0xffff  }
0x16a: {  	v10 =	vadd.s32 s11, v2;
	v16 =	vld.idx.msk [tilespmem:v20+s2+$0x0], $0xffff;
	[tilespmem:s30+$0xFFFFFE60] =	vst v18  }
0x16b: {  	[tilespmem:s31+$0xFFFFFF80] =	vst v11;
	v11 =	vld.idx.msk [tilespmem:v13+s2+$0x0], $0xffff;
	v13 =	vadd.s32 s28, v2  }
0x16c: {  	v7 =	vld.idx.msk [tilespmem:v7+s2+$0x0], $0xffff;
	v2 =	vadd.s32 s0, v2;
	[tilespmem:s31+$0xFFFFFE80] =	vst v12  }
0x16d: {  	v8 =	vadd.s32 s3, v8;
	v12 =	vld.idx.msk [tilespmem:v15+s2+$0x0], $0xffff;
	[tilespmem:s30+$0xFFFFFFF0] =	vst v14  }
0x16e: {  	v14 =	vadd.s32 s29, v6;
	v15 =	vld.idx.msk [tilespmem:v17+s2+$0x0], $0xffff;
	[tilespmem:s4+$0xFFFFFFD0] =	vst v4  }
0x16f: {  	[tilespmem:s30+$0xFFFFFEF0] =	vst v16;
	v4 =	vadd.s32 s26, v3;
	v9 =	vld.idx.msk [tilespmem:v10+s2+$0x0], $0xffff  }
0x170: {  	[tilespmem:s4+$0xFFFFFF50] =	vst v11;
	v11 =	vadd.s32 s11, v1;
	v10 =	vld.idx.msk [tilespmem:v13+s2+$0x0], $0xffff  }
0x171: {  	[tilespmem:s4+$0xFFFFFE50] =	vst v7;
	v7 =	vadd.s32 s28, v1;
	v2 =	vld.idx.msk [tilespmem:v2+s2+$0x0], $0xffff  }
0x172: {  	v1 =	vadd.s32 s0, v1;
	v8 =	vld.idx.msk [tilespmem:v8+s2+$0x0], $0xffff;
	[tilespmem:s30+$0xFFFFFF70] =	vst v12  }
0x173: {  	v6 =	vadd.s32 s3, v6;
	v12 =	vld.idx.msk [tilespmem:v14+s2+$0x0], $0xffff;
	[tilespmem:s30+$0x0] =	vst v15  }
0x174: {  	v13 =	vadd.s32 s25, v3;
	v4 =	vld.idx.msk [tilespmem:v4+s2+$0x0], $0xffff;
	[tilespmem:s4+$0xFFFFFFE0] =	vst v9  }
0x175: {  	v9 =	vadd.s32 s29, v5;
	[tilespmem:s4+$0xFFFFFEE0] =	vst v10;
	v10 =	vld.idx.msk [tilespmem:v11+s2+$0x0], $0xffff  }
0x176: {  	[tilespmem:s4+$0xFFFFFF60] =	vst v2;
	v2 =	vadd.s32 s11, v3;
	v7 =	vld.idx.msk [tilespmem:v7+s2+$0x0], $0xffff  }
0x177: {  	[tilespmem:s4+$0xFFFFFE60] =	vst v8;
	v8 =	vadd.s32 s28, v3;
	v1 =	vld.idx.msk [tilespmem:v1+s2+$0x0], $0xffff  }
0x178: {  	v3 =	vadd.s32 s0, v3;
	[tilespmem:s30+$0xFFFFFE70] =	vst v12;
	v6 =	vld.idx.msk [tilespmem:v6+s2+$0x0], $0xffff  }
0x179: {  	v11 =	vld.idx.msk [tilespmem:v13+s2+$0x0], $0xffff;
	[tilespmem:s30+$0xFFFFFF00] =	vst v4;
	v4 =	vadd.s32 s3, v5  }
0x17a: {  	v5 =	vld.idx.msk [tilespmem:v9+s2+$0x0], $0xffff;
	[tilespmem:s4+$0xFFFFFFF0] =	vst v10  }
0x17b: {  	[tilespmem:s4+$0xFFFFFEF0] =	vst v7;
	v2 =	vld.idx.msk [tilespmem:v2+s2+$0x0], $0xffff  }
0x17c: {  	[tilespmem:s4+$0xFFFFFF70] =	vst v1;
	v7 =	vld.idx.msk [tilespmem:v8+s2+$0x0], $0xffff  }
0x17d: {  	[tilespmem:s4+$0xFFFFFE70] =	vst v6;
	v1 =	vld.idx.msk [tilespmem:v3+s2+$0x0], $0xffff  }
0x17e: {  	[tilespmem:s30+$0xFFFFFF80] =	vst v11;
	v3 =	vld.idx.msk [tilespmem:v4+s2+$0x0], $0xffff  }
0x17f: {  	[tilespmem:s30+$0xFFFFFE80] =	vst v5  }
0x180: {  	[tilespmem:s4+$0x0] =	vst v2  }
0x181: {  	s3 =	sor.u32 s5, s24;
	[tilespmem:s4+$0xFFFFFF00] =	vst v7  }
0x182: {  	s24 =	sadd.s32 s3, s1;
	[tilespmem:s4+$0xFFFFFF80] =	vst v1  }
0x183: {  	s0 =	sadd.s32 $0x80, s24;
	[tilespmem:s4+$0xFFFFFE80] =	vst v3  }
0x184: {  	[hbm4b:s0+s17] =	stream.strided.scatter [tilespmem:s19], [sflag:$0x2], $0x2000, s12, s17, $0x38;
	[tilespmem:$0x1D100] =	vst v63  }
0x185: {  	_ =	swait.ge [sflag:s16], $0x2000  }
0x186: {  	[sflag:s16] =	ssyncset.done $0x0  }
0x187: {  	[sflag:s16] =	ssyncadd.s32 $0xFFFFE000  }
0x188: {  	v1 =	vld [tilespmem:s23+$0x800];
	_ =	sdelay $0x4  }
0x189: {  	v1 =	vmul.u32 $0x41, v1;
	_ =	sdelay $0x1  }
0x18a: {  	s6 =	simm.s32 $0x3;
	v2 =	vld [tilespmem:s23+$0x810];
	v4 =	vadd.s32 v0, v1  }
0x18b: {  	s11 =	simm.s32 $0x1;
	v1 =	vadd.s32 s6, v4  }
0x18c: {  	s13 =	simm.s32 $0x2;
	v3 =	vadd.s32 s11, v4  }
0x18d: {  	v5 =	vadd.s32 s13, v4;
	_ =	sdelay $0x1  }
0x18e: {  	v6 =	vld [tilespmem:s23+$0x820];
	v2 =	vmul.u32 $0x41, v2  }
0x18f: {  	s26 =	simm.s32 $0x5;
	v1 =	vld.idx.msk [tilespmem:v1+s2+$0x0], $0xffff  }
0x190: {  	v2 =	vadd.s32 v0, v2;
	v10 =	vadd.s32 s26, v4;
	v3 =	vld.idx.msk [tilespmem:v3+s2+$0x0], $0xffff  }
0x191: {  	v7 =	vadd.s32 s6, v2;
	v5 =	vld.idx.msk [tilespmem:v5+s2+$0x0], $0xffff  }
0x192: {  	v12 =	vadd.s32 s13, v2;
	v11 =	vld.idx.msk [tilespmem:v4+s2+$0x0], $0xffff  }
0x193: {  	s31 =	simm.s32 $0x19200;
	v9 =	vadd.s32 s11, v2  }
0x194: {  	v8 =	vld [tilespmem:s23+$0x830];
	v6 =	vmul.u32 $0x41, v6;
	[tilespmem:s31+$0x80] =	vst v1  }
0x195: {  	s25 =	simm.s32 $0x6;
	v14 =	vld.idx.msk [tilespmem:v10+s2+$0x0], $0xffff;
	[tilespmem:s31+$0xFFFFFF80] =	vst v3  }
0x196: {  	s10 =	simm.s32 $0x7;
	v1 =	vadd.s32 v0, v6;
	v6 =	vadd.s32 s25, v4;
	[tilespmem:s31+$0x0] =	vst v5;
	v3 =	vld.idx.msk [tilespmem:v7+s2+$0x0], $0xffff  }
0x197: {  	[tilespmem:s31+$0xFFFFFF00] =	vst v11;
	v11 =	vadd.s32 s10, v4;
	v10 =	vld.idx.msk [tilespmem:v12+s2+$0x0], $0xffff  }
0x198: {  	v9 =	vld.idx.msk [tilespmem:v9+s2+$0x0], $0xffff;
	v13 =	vadd.s32 s6, v1  }
0x199: {  	v5 =	vadd.s32 s11, v1  }
0x19a: {  	s29 =	simm.s32 $0x0;
	v12 =	vld.idx.msk [tilespmem:v2+s2+$0x0], $0xffff;
	v15 =	vadd.s32 s13, v1;
	v7 =	vadd.s32 $0x4, v4  }
0x19b: {  	v16 =	vadd.s32 s29, v7;
	v6 =	vld.idx.msk [tilespmem:v6+s2+$0x0], $0xffff;
	[tilespmem:s31+$0x90] =	vst v3  }
0x19c: {  	v8 =	vmul.u32 $0x41, v8;
	v19 =	vadd.s32 s26, v2;
	[tilespmem:s31+$0x10] =	vst v10;
	v10 =	vld.idx.msk [tilespmem:v11+s2+$0x0], $0xffff  }
0x19d: {  	s28 =	simm.s32 $0x9;
	[tilespmem:s31+$0xFFFFFF90] =	vst v9;
	v13 =	vld.idx.msk [tilespmem:v13+s2+$0x0], $0xffff  }
0x19e: {  	s30 =	simm.s32 $0x19400;
	v3 =	vadd.s32 v0, v8;
	v9 =	vadd.s32 s28, v4;
	v5 =	vld.idx.msk [tilespmem:v5+s2+$0x0], $0xffff  }
0x19f: {  	[tilespmem:s30+$0xFFFFFF80] =	vst v14;
	v17 =	vadd.s32 s6, v3;
	v21 =	vld.idx.msk [tilespmem:v15+s2+$0x0], $0xffff  }
0x1a0: {  	[tilespmem:s31+$0xFFFFFF10] =	vst v12;
	v15 =	vadd.s32 s10, v2;
	v16 =	vld.idx.msk [tilespmem:v16+s2+$0x0], $0xffff  }
0x1a1: {  	v20 =	vadd.s32 s25, v2;
	v14 =	vld.idx.msk [tilespmem:v19+s2+$0x0], $0xffff;
	[tilespmem:s30+$0x0] =	vst v6  }
0x1a2: {  	v8 =	vadd.s32 $0x4, v2;
	v18 =	vadd.s32 s11, v3;
	v11 =	vld.idx.msk [tilespmem:v1+s2+$0x0], $0xffff;
	[tilespmem:s30+$0x80] =	vst v10  }
0x1a3: {  	v22 =	vadd.s32 s29, v8;
	v9 =	vld.idx.msk [tilespmem:v9+s2+$0x0], $0xffff;
	[tilespmem:s31+$0xA0] =	vst v13  }
0x1a4: {  	s0 =	simm.s32 $0xA;
	[tilespmem:s31+$0xFFFFFFA0] =	vst v5;
	v12 =	vld.idx.msk [tilespmem:v17+s2+$0x0], $0xffff;
	v17 =	vadd.s32 s13, v3  }
0x1a5: {  	v15 =	vld.idx.msk [tilespmem:v15+s2+$0x0], $0xffff;
	v13 =	vadd.s32 s0, v4;
	[tilespmem:s30+$0xFFFFFF00] =	vst v16  }
0x1a6: {  	v16 =	vld.idx.msk [tilespmem:v20+s2+$0x0], $0xffff;
	[tilespmem:s31+$0x20] =	vst v21;
	v21 =	vmov v3  }
0x1a7: {  	s3 =	simm.s32 $0x4;
	v19 =	vadd.s32 s10, v1;
	v10 =	vld.idx.msk [tilespmem:v18+s2+$0x0], $0xffff  }
0x1a8: {  	s4 =	simm.s32 $0xC;
	s11 =	simm.s32 $0xB;
	v6 =	vadd.s32 $0x4, v1;
	v5 =	vadd.s32 $0x4, v3;
	v20 =	vadd.s32 s26, v1;
	s13 =	simm.s32 $0x8;
	v18 =	vld.idx.msk [tilespmem:v22+s2+$0x0], $0xffff  }
.LBB2_16:
0x1a9: {  	p0 =	slt.u32 s4, $0x3C;
	v22 =	vadd.s32 s11, v4;
	v17 =	vld.idx.msk [tilespmem:v17+s2+$0x0], $0xffff;
	[tilespmem:s31+$0xB0] =	vst v12  }
0x1aa: {  	v12 =	vadd.s32 s25, v1;
	v23 =	vld.idx.msk [tilespmem:v13+s2+$0x0], $0xffff;
	[tilespmem:s31+$0xFFFFFF20] =	vst v11  }
0x1ab: {  	v11 =	vadd.s32 s29, v6;
	[tilespmem:s30+$0x90] =	vst v15;
	v13 =	vld.idx.msk [tilespmem:v21+s2+$0x0], $0xffff  }
0x1ac: {  	s6 =	sadd.s32 $0x1, s4;
	v15 =	vadd.s32 s3, v7;
	[tilespmem:s30+$0xFFFFFF90] =	vst v14;
	v14 =	vld.idx.msk [tilespmem:v19+s2+$0x0], $0xffff  }
0x1ad: {  	v19 =	vadd.s32 s6, v4;
	v20 =	vld.idx.msk [tilespmem:v20+s2+$0x0], $0xffff;
	[tilespmem:s30+$0x10] =	vst v16  }
0x1ae: {  	v16 =	vld.idx.msk [tilespmem:v22+s2+$0x0], $0xffff;
	[tilespmem:s30+$0xFFFFFF10] =	vst v18;
	v18 =	vadd.s32 s10, v3;
	s10 =	smov.u32 s11  }
0x1af: {  	v21 =	vadd.s32 s26, v3;
	s26 =	smov.u32 s28;
	s28 =	smov.u32 s6;
	v22 =	vld.idx.msk [tilespmem:v12+s2+$0x0], $0xffff;
	[tilespmem:s31+$0xFFFFFFB0] =	vst v10  }
0x1b0: {  	v24 =	vadd.s32 s10, v2;
	v11 =	vld.idx.msk [tilespmem:v11+s2+$0x0], $0xffff;
	[tilespmem:s31+$0x30] =	vst v17  }
0x1b1: {  	v26 =	vadd.s32 s26, v2;
	v25 =	vld.idx.msk [tilespmem:v15+s2+$0x0], $0xffff;
	[tilespmem:s31+$0xFFFFFF30] =	vst v13;
	s31 =	smov.u32 s30  }
0x1b2: {  	v27 =	vld.idx.msk [tilespmem:v19+s2+$0x0], $0xffff;
	v19 =	vadd.s32 s0, v2;
	[tilespmem:s30+$0xA0] =	vst v14  }
0x1b3: {  	v28 =	vadd.s32 s3, v8;
	s30 =	sadd.s32 $0x200, s30;
	[tilespmem:s31+$0xFFFFFFA0] =	vst v20;
	v12 =	vld.idx.msk [tilespmem:v18+s2+$0x0], $0xffff  }
.Ltmp9:
0x1b4: {  	v17 =	vadd.s32 s25, v3;
	s25 =	smov.u32 s0;
	s0 =	sadd.s32 $0x2, s4;
	[tilespmem:s30+$0x80] =	vst v16;
	v10 =	vld.idx.msk [tilespmem:v21+s2+$0x0], $0xffff;
	(pc) =	sbr.rel @p0 .LBB2_16-.Ltmp9, $4  }
0x1b5: {  	v13 =	vadd.s32 s0, v4;
	[tilespmem:s30+$0xFFFFFF80] =	vst v9;
	v15 =	vld.idx.msk [tilespmem:v24+s2+$0x0], $0xffff  }
0x1b6: {  	v21 =	vadd.s32 s29, v5;
	s29 =	smov.u32 s3;
	s3 =	smov.u32 s13;
	s13 =	smov.u32 s4;
	v14 =	vld.idx.msk [tilespmem:v26+s2+$0x0], $0xffff;
	[tilespmem:s30+$0x0] =	vst v23  }
0x1b7: {  	[tilespmem:s30+$0xFFFFFF00] =	vst v25;
	v16 =	vld.idx.msk [tilespmem:v19+s2+$0x0], $0xffff;
	v19 =	vadd.s32 s10, v1  }
0x1b8: {  	v20 =	vadd.s32 s26, v1;
	s4 =	sadd.s32 $0x4, s4;
	s11 =	sadd.s32 $0x3, s13;
	v9 =	vmov v27;
	v18 =	vld.idx.msk [tilespmem:v28+s2+$0x0], $0xffff;
	[tilespmem:s31+$0x20] =	vst v22  }
0x1b9: {  	_ = 	snop  }
0x1ba: {  	[tilespmem:s31+$0xB0] =	vst v12  }
0x1bb: {  	v4 =	vadd.s32 s11, v4;
	[tilespmem:s31+$0xFFFFFF20] =	vst v11  }
0x1bc: {  	[tilespmem:s31+$0xFFFFFFB0] =	vst v10  }
0x1bd: {  	v11 =	vld.idx.msk [tilespmem:v17+s2+$0x0], $0xffff;
	s4 =	sadd.s32 $0x200, s30;
	[tilespmem:s30+$0x90] =	vst v15  }
0x1be: {  	v7 =	vadd.s32 s3, v7;
	v12 =	vld.idx.msk [tilespmem:v21+s2+$0x0], $0xffff;
	[tilespmem:s4+$0xFFFFFF80] =	vst v9  }
0x1bf: {  	v15 =	vadd.s32 s25, v1;
	[tilespmem:s30+$0xFFFFFF90] =	vst v14;
	v14 =	vld.idx.msk [tilespmem:v19+s2+$0x0], $0xffff  }
0x1c0: {  	v17 =	vadd.s32 s10, v3;
	[tilespmem:s30+$0x10] =	vst v16;
	v4 =	vld.idx.msk [tilespmem:v4+s2+$0x0], $0xffff  }
0x1c1: {  	v10 =	vadd.s32 s11, v2;
	v16 =	vld.idx.msk [tilespmem:v20+s2+$0x0], $0xffff;
	[tilespmem:s30+$0xFFFFFF10] =	vst v18  }
0x1c2: {  	[tilespmem:s31+$0x30] =	vst v11;
	v11 =	vld.idx.msk [tilespmem:v13+s2+$0x0], $0xffff;
	v13 =	vadd.s32 s28, v2  }
0x1c3: {  	v7 =	vld.idx.msk [tilespmem:v7+s2+$0x0], $0xffff;
	v2 =	vadd.s32 s0, v2;
	[tilespmem:s31+$0xFFFFFF30] =	vst v12  }
0x1c4: {  	v8 =	vadd.s32 s3, v8;
	v12 =	vld.idx.msk [tilespmem:v15+s2+$0x0], $0xffff;
	[tilespmem:s30+$0xA0] =	vst v14  }
0x1c5: {  	v14 =	vadd.s32 s29, v6;
	v15 =	vld.idx.msk [tilespmem:v17+s2+$0x0], $0xffff;
	[tilespmem:s4+$0x80] =	vst v4  }
0x1c6: {  	[tilespmem:s30+$0xFFFFFFA0] =	vst v16;
	v4 =	vadd.s32 s26, v3;
	v9 =	vld.idx.msk [tilespmem:v10+s2+$0x0], $0xffff  }
0x1c7: {  	[tilespmem:s4+$0x0] =	vst v11;
	v11 =	vadd.s32 s11, v1;
	v10 =	vld.idx.msk [tilespmem:v13+s2+$0x0], $0xffff  }
0x1c8: {  	[tilespmem:s4+$0xFFFFFF00] =	vst v7;
	v7 =	vadd.s32 s28, v1;
	v2 =	vld.idx.msk [tilespmem:v2+s2+$0x0], $0xffff  }
0x1c9: {  	v1 =	vadd.s32 s0, v1;
	v8 =	vld.idx.msk [tilespmem:v8+s2+$0x0], $0xffff;
	[tilespmem:s30+$0x20] =	vst v12  }
0x1ca: {  	v6 =	vadd.s32 s3, v6;
	v12 =	vld.idx.msk [tilespmem:v14+s2+$0x0], $0xffff;
	[tilespmem:s30+$0xB0] =	vst v15  }
0x1cb: {  	v13 =	vadd.s32 s25, v3;
	v4 =	vld.idx.msk [tilespmem:v4+s2+$0x0], $0xffff;
	[tilespmem:s4+$0x90] =	vst v9  }
0x1cc: {  	v9 =	vadd.s32 s29, v5;
	[tilespmem:s4+$0xFFFFFF90] =	vst v10;
	v10 =	vld.idx.msk [tilespmem:v11+s2+$0x0], $0xffff  }
0x1cd: {  	[tilespmem:s4+$0x10] =	vst v2;
	v2 =	vadd.s32 s11, v3;
	v7 =	vld.idx.msk [tilespmem:v7+s2+$0x0], $0xffff  }
0x1ce: {  	[tilespmem:s4+$0xFFFFFF10] =	vst v8;
	v8 =	vadd.s32 s28, v3;
	v1 =	vld.idx.msk [tilespmem:v1+s2+$0x0], $0xffff  }
0x1cf: {  	v3 =	vadd.s32 s0, v3;
	[tilespmem:s30+$0xFFFFFF20] =	vst v12;
	v6 =	vld.idx.msk [tilespmem:v6+s2+$0x0], $0xffff  }
0x1d0: {  	v11 =	vld.idx.msk [tilespmem:v13+s2+$0x0], $0xffff;
	[tilespmem:s30+$0xFFFFFFB0] =	vst v4;
	v4 =	vadd.s32 s3, v5  }
0x1d1: {  	v5 =	vld.idx.msk [tilespmem:v9+s2+$0x0], $0xffff;
	[tilespmem:s4+$0xA0] =	vst v10  }
0x1d2: {  	[tilespmem:s4+$0xFFFFFFA0] =	vst v7;
	v2 =	vld.idx.msk [tilespmem:v2+s2+$0x0], $0xffff  }
0x1d3: {  	[tilespmem:s4+$0x20] =	vst v1;
	v7 =	vld.idx.msk [tilespmem:v8+s2+$0x0], $0xffff  }
0x1d4: {  	[tilespmem:s4+$0xFFFFFF20] =	vst v6;
	v1 =	vld.idx.msk [tilespmem:v3+s2+$0x0], $0xffff  }
0x1d5: {  	[tilespmem:s30+$0x30] =	vst v11;
	v3 =	vld.idx.msk [tilespmem:v4+s2+$0x0], $0xffff  }
0x1d6: {  	[tilespmem:s30+$0xFFFFFF30] =	vst v5  }
0x1d7: {  	[tilespmem:s4+$0xB0] =	vst v2  }
0x1d8: {  	[tilespmem:s4+$0xFFFFFFB0] =	vst v7  }
0x1d9: {  	[tilespmem:s4+$0x30] =	vst v1  }
0x1da: {  	[tilespmem:s4+$0xFFFFFF30] =	vst v3  }
0x1db: {  	v1 =	vld [tilespmem:s23+$0x840];
	_ =	sdelay $0x4  }
0x1dc: {  	v1 =	vmul.u32 $0x41, v1;
	_ =	sdelay $0x1  }
0x1dd: {  	s6 =	simm.s32 $0x3;
	v2 =	vld [tilespmem:s23+$0x850];
	v4 =	vadd.s32 v0, v1  }
0x1de: {  	s11 =	simm.s32 $0x1;
	v1 =	vadd.s32 s6, v4  }
0x1df: {  	s13 =	simm.s32 $0x2;
	v3 =	vadd.s32 s11, v4  }
0x1e0: {  	v5 =	vadd.s32 s13, v4;
	_ =	sdelay $0x1  }
0x1e1: {  	v6 =	vld [tilespmem:s23+$0x860];
	v2 =	vmul.u32 $0x41, v2  }
0x1e2: {  	s26 =	simm.s32 $0x5;
	v1 =	vld.idx.msk [tilespmem:v1+s2+$0x0], $0xffff  }
0x1e3: {  	v2 =	vadd.s32 v0, v2;
	v10 =	vadd.s32 s26, v4;
	v3 =	vld.idx.msk [tilespmem:v3+s2+$0x0], $0xffff  }
0x1e4: {  	v7 =	vadd.s32 s6, v2;
	v5 =	vld.idx.msk [tilespmem:v5+s2+$0x0], $0xffff  }
0x1e5: {  	v12 =	vadd.s32 s13, v2;
	v11 =	vld.idx.msk [tilespmem:v4+s2+$0x0], $0xffff  }
0x1e6: {  	s31 =	simm.s32 $0x19240;
	v9 =	vadd.s32 s11, v2  }
0x1e7: {  	v8 =	vld [tilespmem:s23+$0x870];
	v6 =	vmul.u32 $0x41, v6;
	[tilespmem:s31+$0x80] =	vst v1  }
0x1e8: {  	s25 =	simm.s32 $0x6;
	v14 =	vld.idx.msk [tilespmem:v10+s2+$0x0], $0xffff;
	[tilespmem:s31+$0xFFFFFF80] =	vst v3  }
0x1e9: {  	s10 =	simm.s32 $0x7;
	v1 =	vadd.s32 v0, v6;
	v6 =	vadd.s32 s25, v4;
	[tilespmem:s31+$0x0] =	vst v5;
	v3 =	vld.idx.msk [tilespmem:v7+s2+$0x0], $0xffff  }
0x1ea: {  	[tilespmem:s31+$0xFFFFFF00] =	vst v11;
	v11 =	vadd.s32 s10, v4;
	v10 =	vld.idx.msk [tilespmem:v12+s2+$0x0], $0xffff  }
0x1eb: {  	v9 =	vld.idx.msk [tilespmem:v9+s2+$0x0], $0xffff;
	v13 =	vadd.s32 s6, v1  }
0x1ec: {  	v5 =	vadd.s32 s11, v1  }
0x1ed: {  	s29 =	simm.s32 $0x0;
	v12 =	vld.idx.msk [tilespmem:v2+s2+$0x0], $0xffff;
	v15 =	vadd.s32 s13, v1;
	v7 =	vadd.s32 $0x4, v4  }
0x1ee: {  	v16 =	vadd.s32 s29, v7;
	v6 =	vld.idx.msk [tilespmem:v6+s2+$0x0], $0xffff;
	[tilespmem:s31+$0x90] =	vst v3  }
0x1ef: {  	v8 =	vmul.u32 $0x41, v8;
	v19 =	vadd.s32 s26, v2;
	[tilespmem:s31+$0x10] =	vst v10;
	v10 =	vld.idx.msk [tilespmem:v11+s2+$0x0], $0xffff  }
0x1f0: {  	s28 =	simm.s32 $0x9;
	[tilespmem:s31+$0xFFFFFF90] =	vst v9;
	v13 =	vld.idx.msk [tilespmem:v13+s2+$0x0], $0xffff  }
0x1f1: {  	s30 =	simm.s32 $0x19440;
	v3 =	vadd.s32 v0, v8;
	v9 =	vadd.s32 s28, v4;
	v5 =	vld.idx.msk [tilespmem:v5+s2+$0x0], $0xffff  }
0x1f2: {  	[tilespmem:s30+$0xFFFFFF80] =	vst v14;
	v17 =	vadd.s32 s6, v3;
	v21 =	vld.idx.msk [tilespmem:v15+s2+$0x0], $0xffff  }
0x1f3: {  	[tilespmem:s31+$0xFFFFFF10] =	vst v12;
	v15 =	vadd.s32 s10, v2;
	v16 =	vld.idx.msk [tilespmem:v16+s2+$0x0], $0xffff  }
0x1f4: {  	v20 =	vadd.s32 s25, v2;
	v14 =	vld.idx.msk [tilespmem:v19+s2+$0x0], $0xffff;
	[tilespmem:s30+$0x0] =	vst v6  }
0x1f5: {  	v8 =	vadd.s32 $0x4, v2;
	v18 =	vadd.s32 s11, v3;
	v11 =	vld.idx.msk [tilespmem:v1+s2+$0x0], $0xffff;
	[tilespmem:s30+$0x80] =	vst v10  }
0x1f6: {  	v22 =	vadd.s32 s29, v8;
	v9 =	vld.idx.msk [tilespmem:v9+s2+$0x0], $0xffff;
	[tilespmem:s31+$0xA0] =	vst v13  }
0x1f7: {  	s0 =	simm.s32 $0xA;
	[tilespmem:s31+$0xFFFFFFA0] =	vst v5;
	v12 =	vld.idx.msk [tilespmem:v17+s2+$0x0], $0xffff;
	v17 =	vadd.s32 s13, v3  }
0x1f8: {  	v15 =	vld.idx.msk [tilespmem:v15+s2+$0x0], $0xffff;
	v13 =	vadd.s32 s0, v4;
	[tilespmem:s30+$0xFFFFFF00] =	vst v16  }
0x1f9: {  	v16 =	vld.idx.msk [tilespmem:v20+s2+$0x0], $0xffff;
	[tilespmem:s31+$0x20] =	vst v21;
	v21 =	vmov v3  }
0x1fa: {  	s3 =	simm.s32 $0x4;
	v19 =	vadd.s32 s10, v1;
	v10 =	vld.idx.msk [tilespmem:v18+s2+$0x0], $0xffff  }
0x1fb: {  	s4 =	simm.s32 $0xC;
	s11 =	simm.s32 $0xB;
	v6 =	vadd.s32 $0x4, v1;
	v5 =	vadd.s32 $0x4, v3;
	v20 =	vadd.s32 s26, v1;
	s13 =	simm.s32 $0x8;
	v18 =	vld.idx.msk [tilespmem:v22+s2+$0x0], $0xffff  }
.LBB2_18:
0x1fc: {  	p0 =	slt.u32 s4, $0x3C;
	v22 =	vadd.s32 s11, v4;
	v17 =	vld.idx.msk [tilespmem:v17+s2+$0x0], $0xffff;
	[tilespmem:s31+$0xB0] =	vst v12  }
0x1fd: {  	v12 =	vadd.s32 s25, v1;
	v23 =	vld.idx.msk [tilespmem:v13+s2+$0x0], $0xffff;
	[tilespmem:s31+$0xFFFFFF20] =	vst v11  }
0x1fe: {  	v11 =	vadd.s32 s29, v6;
	[tilespmem:s30+$0x90] =	vst v15;
	v13 =	vld.idx.msk [tilespmem:v21+s2+$0x0], $0xffff  }
0x1ff: {  	s6 =	sadd.s32 $0x1, s4;
	v15 =	vadd.s32 s3, v7;
	[tilespmem:s30+$0xFFFFFF90] =	vst v14;
	v14 =	vld.idx.msk [tilespmem:v19+s2+$0x0], $0xffff  }
0x200: {  	v19 =	vadd.s32 s6, v4;
	v20 =	vld.idx.msk [tilespmem:v20+s2+$0x0], $0xffff;
	[tilespmem:s30+$0x10] =	vst v16  }
0x201: {  	v16 =	vld.idx.msk [tilespmem:v22+s2+$0x0], $0xffff;
	[tilespmem:s30+$0xFFFFFF10] =	vst v18;
	v18 =	vadd.s32 s10, v3;
	s10 =	smov.u32 s11  }
0x202: {  	v21 =	vadd.s32 s26, v3;
	s26 =	smov.u32 s28;
	s28 =	smov.u32 s6;
	v22 =	vld.idx.msk [tilespmem:v12+s2+$0x0], $0xffff;
	[tilespmem:s31+$0xFFFFFFB0] =	vst v10  }
0x203: {  	v24 =	vadd.s32 s10, v2;
	v11 =	vld.idx.msk [tilespmem:v11+s2+$0x0], $0xffff;
	[tilespmem:s31+$0x30] =	vst v17  }
0x204: {  	v26 =	vadd.s32 s26, v2;
	v25 =	vld.idx.msk [tilespmem:v15+s2+$0x0], $0xffff;
	[tilespmem:s31+$0xFFFFFF30] =	vst v13;
	s31 =	smov.u32 s30  }
0x205: {  	v27 =	vld.idx.msk [tilespmem:v19+s2+$0x0], $0xffff;
	v19 =	vadd.s32 s0, v2;
	[tilespmem:s30+$0xA0] =	vst v14  }
0x206: {  	v28 =	vadd.s32 s3, v8;
	s30 =	sadd.s32 $0x200, s30;
	[tilespmem:s31+$0xFFFFFFA0] =	vst v20;
	v12 =	vld.idx.msk [tilespmem:v18+s2+$0x0], $0xffff  }
.Ltmp10:
0x207: {  	v17 =	vadd.s32 s25, v3;
	s25 =	smov.u32 s0;
	s0 =	sadd.s32 $0x2, s4;
	[tilespmem:s30+$0x80] =	vst v16;
	v10 =	vld.idx.msk [tilespmem:v21+s2+$0x0], $0xffff;
	(pc) =	sbr.rel @p0 .LBB2_18-.Ltmp10, $4  }
0x208: {  	v13 =	vadd.s32 s0, v4;
	[tilespmem:s30+$0xFFFFFF80] =	vst v9;
	v15 =	vld.idx.msk [tilespmem:v24+s2+$0x0], $0xffff  }
0x209: {  	v21 =	vadd.s32 s29, v5;
	s29 =	smov.u32 s3;
	s3 =	smov.u32 s13;
	s13 =	smov.u32 s4;
	v14 =	vld.idx.msk [tilespmem:v26+s2+$0x0], $0xffff;
	[tilespmem:s30+$0x0] =	vst v23  }
0x20a: {  	[tilespmem:s30+$0xFFFFFF00] =	vst v25;
	v16 =	vld.idx.msk [tilespmem:v19+s2+$0x0], $0xffff;
	v19 =	vadd.s32 s10, v1  }
0x20b: {  	v20 =	vadd.s32 s26, v1;
	s4 =	sadd.s32 $0x4, s4;
	s11 =	sadd.s32 $0x3, s13;
	v9 =	vmov v27;
	v18 =	vld.idx.msk [tilespmem:v28+s2+$0x0], $0xffff;
	[tilespmem:s31+$0x20] =	vst v22  }
0x20c: {  	_ = 	snop  }
0x20d: {  	[tilespmem:s31+$0xB0] =	vst v12  }
0x20e: {  	v4 =	vadd.s32 s11, v4;
	[tilespmem:s31+$0xFFFFFF20] =	vst v11  }
0x20f: {  	[tilespmem:s31+$0xFFFFFFB0] =	vst v10  }
0x210: {  	v11 =	vld.idx.msk [tilespmem:v17+s2+$0x0], $0xffff;
	s4 =	sadd.s32 $0x200, s30;
	[tilespmem:s30+$0x90] =	vst v15  }
0x211: {  	v7 =	vadd.s32 s3, v7;
	v12 =	vld.idx.msk [tilespmem:v21+s2+$0x0], $0xffff;
	[tilespmem:s4+$0xFFFFFF80] =	vst v9  }
0x212: {  	v15 =	vadd.s32 s25, v1;
	[tilespmem:s30+$0xFFFFFF90] =	vst v14;
	v14 =	vld.idx.msk [tilespmem:v19+s2+$0x0], $0xffff  }
0x213: {  	v17 =	vadd.s32 s10, v3;
	[tilespmem:s30+$0x10] =	vst v16;
	v4 =	vld.idx.msk [tilespmem:v4+s2+$0x0], $0xffff  }
0x214: {  	v10 =	vadd.s32 s11, v2;
	v16 =	vld.idx.msk [tilespmem:v20+s2+$0x0], $0xffff;
	[tilespmem:s30+$0xFFFFFF10] =	vst v18  }
0x215: {  	[tilespmem:s31+$0x30] =	vst v11;
	v11 =	vld.idx.msk [tilespmem:v13+s2+$0x0], $0xffff;
	v13 =	vadd.s32 s28, v2  }
0x216: {  	v7 =	vld.idx.msk [tilespmem:v7+s2+$0x0], $0xffff;
	v2 =	vadd.s32 s0, v2;
	[tilespmem:s31+$0xFFFFFF30] =	vst v12  }
0x217: {  	v8 =	vadd.s32 s3, v8;
	v12 =	vld.idx.msk [tilespmem:v15+s2+$0x0], $0xffff;
	[tilespmem:s30+$0xA0] =	vst v14  }
0x218: {  	v14 =	vadd.s32 s29, v6;
	v15 =	vld.idx.msk [tilespmem:v17+s2+$0x0], $0xffff;
	[tilespmem:s4+$0x80] =	vst v4  }
0x219: {  	[tilespmem:s30+$0xFFFFFFA0] =	vst v16;
	v4 =	vadd.s32 s26, v3;
	v9 =	vld.idx.msk [tilespmem:v10+s2+$0x0], $0xffff  }
0x21a: {  	[tilespmem:s4+$0x0] =	vst v11;
	v11 =	vadd.s32 s11, v1;
	v10 =	vld.idx.msk [tilespmem:v13+s2+$0x0], $0xffff  }
0x21b: {  	[tilespmem:s4+$0xFFFFFF00] =	vst v7;
	v7 =	vadd.s32 s28, v1;
	v2 =	vld.idx.msk [tilespmem:v2+s2+$0x0], $0xffff  }
0x21c: {  	v1 =	vadd.s32 s0, v1;
	v8 =	vld.idx.msk [tilespmem:v8+s2+$0x0], $0xffff;
	[tilespmem:s30+$0x20] =	vst v12  }
0x21d: {  	v6 =	vadd.s32 s3, v6;
	v12 =	vld.idx.msk [tilespmem:v14+s2+$0x0], $0xffff;
	[tilespmem:s30+$0xB0] =	vst v15  }
0x21e: {  	v13 =	vadd.s32 s25, v3;
	v4 =	vld.idx.msk [tilespmem:v4+s2+$0x0], $0xffff;
	[tilespmem:s4+$0x90] =	vst v9  }
0x21f: {  	v9 =	vadd.s32 s29, v5;
	[tilespmem:s4+$0xFFFFFF90] =	vst v10;
	v10 =	vld.idx.msk [tilespmem:v11+s2+$0x0], $0xffff  }
0x220: {  	[tilespmem:s4+$0x10] =	vst v2;
	v2 =	vadd.s32 s11, v3;
	v7 =	vld.idx.msk [tilespmem:v7+s2+$0x0], $0xffff  }
0x221: {  	[tilespmem:s4+$0xFFFFFF10] =	vst v8;
	v8 =	vadd.s32 s28, v3;
	v1 =	vld.idx.msk [tilespmem:v1+s2+$0x0], $0xffff  }
0x222: {  	v3 =	vadd.s32 s0, v3;
	[tilespmem:s30+$0xFFFFFF20] =	vst v12;
	v6 =	vld.idx.msk [tilespmem:v6+s2+$0x0], $0xffff  }
0x223: {  	v11 =	vld.idx.msk [tilespmem:v13+s2+$0x0], $0xffff;
	[tilespmem:s30+$0xFFFFFFB0] =	vst v4;
	v4 =	vadd.s32 s3, v5  }
0x224: {  	v5 =	vld.idx.msk [tilespmem:v9+s2+$0x0], $0xffff;
	[tilespmem:s4+$0xA0] =	vst v10  }
0x225: {  	[tilespmem:s4+$0xFFFFFFA0] =	vst v7;
	v2 =	vld.idx.msk [tilespmem:v2+s2+$0x0], $0xffff  }
0x226: {  	[tilespmem:s4+$0x20] =	vst v1;
	v7 =	vld.idx.msk [tilespmem:v8+s2+$0x0], $0xffff  }
0x227: {  	[tilespmem:s4+$0xFFFFFF20] =	vst v6;
	v1 =	vld.idx.msk [tilespmem:v3+s2+$0x0], $0xffff  }
0x228: {  	[tilespmem:s30+$0x30] =	vst v11;
	v3 =	vld.idx.msk [tilespmem:v4+s2+$0x0], $0xffff  }
0x229: {  	[tilespmem:s30+$0xFFFFFF30] =	vst v5  }
0x22a: {  	[tilespmem:s4+$0xB0] =	vst v2  }
0x22b: {  	[tilespmem:s4+$0xFFFFFFB0] =	vst v7  }
0x22c: {  	[tilespmem:s4+$0x30] =	vst v1  }
0x22d: {  	[tilespmem:s4+$0xFFFFFF30] =	vst v3;
	s4 =	sadd.s32 $0x100, s24  }
0x22e: {  	[hbm4b:s4+s17] =	stream.strided.scatter [tilespmem:s18], [sflag:$0x1], $0x2000, s12, s17, $0x38;
	[tilespmem:$0x1D100] =	vst v63  }
0x22f: {  	_ =	swait.ge [sflag:s20], $0x2000  }
0x230: {  	[sflag:s20] =	ssyncset.done $0x0  }
0x231: {  	[sflag:s20] =	ssyncadd.s32 $0xFFFFE000  }
0x232: {  	v1 =	vld [tilespmem:s23+$0xC00];
	_ =	sdelay $0x4  }
0x233: {  	v1 =	vmul.u32 $0x41, v1;
	_ =	sdelay $0x1  }
0x234: {  	s6 =	simm.s32 $0x3;
	v2 =	vld [tilespmem:s23+$0xC10];
	v4 =	vadd.s32 v0, v1  }
0x235: {  	s11 =	simm.s32 $0x1;
	v1 =	vadd.s32 s6, v4  }
0x236: {  	s13 =	simm.s32 $0x2;
	v3 =	vadd.s32 s11, v4  }
0x237: {  	v5 =	vadd.s32 s13, v4;
	_ =	sdelay $0x1  }
0x238: {  	v6 =	vld [tilespmem:s23+$0xC20];
	v2 =	vmul.u32 $0x41, v2  }
0x239: {  	s26 =	simm.s32 $0x5;
	v1 =	vld.idx.msk [tilespmem:v1+s2+$0x0], $0xffff  }
0x23a: {  	v2 =	vadd.s32 v0, v2;
	v10 =	vadd.s32 s26, v4;
	v3 =	vld.idx.msk [tilespmem:v3+s2+$0x0], $0xffff  }
0x23b: {  	v7 =	vadd.s32 s6, v2;
	v5 =	vld.idx.msk [tilespmem:v5+s2+$0x0], $0xffff  }
0x23c: {  	v12 =	vadd.s32 s13, v2;
	v11 =	vld.idx.msk [tilespmem:v4+s2+$0x0], $0xffff  }
0x23d: {  	s31 =	simm.s32 $0x1B2B0;
	v9 =	vadd.s32 s11, v2  }
0x23e: {  	v8 =	vld [tilespmem:s23+$0xC30];
	v6 =	vmul.u32 $0x41, v6;
	[tilespmem:s31+$0xFFFFFFD0] =	vst v1  }
0x23f: {  	s25 =	simm.s32 $0x6;
	v14 =	vld.idx.msk [tilespmem:v10+s2+$0x0], $0xffff;
	[tilespmem:s31+$0xFFFFFED0] =	vst v3  }
0x240: {  	s10 =	simm.s32 $0x7;
	v1 =	vadd.s32 v0, v6;
	v6 =	vadd.s32 s25, v4;
	[tilespmem:s31+$0xFFFFFF50] =	vst v5;
	v3 =	vld.idx.msk [tilespmem:v7+s2+$0x0], $0xffff  }
0x241: {  	[tilespmem:s31+$0xFFFFFE50] =	vst v11;
	v11 =	vadd.s32 s10, v4;
	v10 =	vld.idx.msk [tilespmem:v12+s2+$0x0], $0xffff  }
0x242: {  	v9 =	vld.idx.msk [tilespmem:v9+s2+$0x0], $0xffff;
	v13 =	vadd.s32 s6, v1  }
0x243: {  	v5 =	vadd.s32 s11, v1  }
0x244: {  	s29 =	simm.s32 $0x0;
	v12 =	vld.idx.msk [tilespmem:v2+s2+$0x0], $0xffff;
	v15 =	vadd.s32 s13, v1;
	v7 =	vadd.s32 $0x4, v4  }
0x245: {  	v16 =	vadd.s32 s29, v7;
	v6 =	vld.idx.msk [tilespmem:v6+s2+$0x0], $0xffff;
	[tilespmem:s31+$0xFFFFFFE0] =	vst v3  }
0x246: {  	v8 =	vmul.u32 $0x41, v8;
	v19 =	vadd.s32 s26, v2;
	[tilespmem:s31+$0xFFFFFF60] =	vst v10;
	v10 =	vld.idx.msk [tilespmem:v11+s2+$0x0], $0xffff  }
0x247: {  	s28 =	simm.s32 $0x9;
	[tilespmem:s31+$0xFFFFFEE0] =	vst v9;
	v13 =	vld.idx.msk [tilespmem:v13+s2+$0x0], $0xffff  }
0x248: {  	s30 =	simm.s32 $0x1B4B0;
	v3 =	vadd.s32 v0, v8;
	v9 =	vadd.s32 s28, v4;
	v5 =	vld.idx.msk [tilespmem:v5+s2+$0x0], $0xffff  }
0x249: {  	[tilespmem:s30+$0xFFFFFED0] =	vst v14;
	v17 =	vadd.s32 s6, v3;
	v21 =	vld.idx.msk [tilespmem:v15+s2+$0x0], $0xffff  }
0x24a: {  	[tilespmem:s31+$0xFFFFFE60] =	vst v12;
	v15 =	vadd.s32 s10, v2;
	v16 =	vld.idx.msk [tilespmem:v16+s2+$0x0], $0xffff  }
0x24b: {  	v20 =	vadd.s32 s25, v2;
	v14 =	vld.idx.msk [tilespmem:v19+s2+$0x0], $0xffff;
	[tilespmem:s30+$0xFFFFFF50] =	vst v6  }
0x24c: {  	v8 =	vadd.s32 $0x4, v2;
	v18 =	vadd.s32 s11, v3;
	v11 =	vld.idx.msk [tilespmem:v1+s2+$0x0], $0xffff;
	[tilespmem:s30+$0xFFFFFFD0] =	vst v10  }
0x24d: {  	v22 =	vadd.s32 s29, v8;
	v9 =	vld.idx.msk [tilespmem:v9+s2+$0x0], $0xffff;
	[tilespmem:s31+$0xFFFFFFF0] =	vst v13  }
0x24e: {  	s0 =	simm.s32 $0xA;
	[tilespmem:s31+$0xFFFFFEF0] =	vst v5;
	v12 =	vld.idx.msk [tilespmem:v17+s2+$0x0], $0xffff;
	v17 =	vadd.s32 s13, v3  }
0x24f: {  	v15 =	vld.idx.msk [tilespmem:v15+s2+$0x0], $0xffff;
	v13 =	vadd.s32 s0, v4;
	[tilespmem:s30+$0xFFFFFE50] =	vst v16  }
0x250: {  	v16 =	vld.idx.msk [tilespmem:v20+s2+$0x0], $0xffff;
	[tilespmem:s31+$0xFFFFFF70] =	vst v21;
	v21 =	vmov v3  }
0x251: {  	s3 =	simm.s32 $0x4;
	v19 =	vadd.s32 s10, v1;
	v10 =	vld.idx.msk [tilespmem:v18+s2+$0x0], $0xffff  }
0x252: {  	s4 =	simm.s32 $0xC;
	s11 =	simm.s32 $0xB;
	v6 =	vadd.s32 $0x4, v1;
	v5 =	vadd.s32 $0x4, v3;
	v20 =	vadd.s32 s26, v1;
	s13 =	simm.s32 $0x8;
	v18 =	vld.idx.msk [tilespmem:v22+s2+$0x0], $0xffff  }
.LBB2_20:
0x253: {  	p0 =	slt.u32 s4, $0x3C;
	v22 =	vadd.s32 s11, v4;
	v17 =	vld.idx.msk [tilespmem:v17+s2+$0x0], $0xffff;
	[tilespmem:s31+$0x0] =	vst v12  }
0x254: {  	v12 =	vadd.s32 s25, v1;
	v23 =	vld.idx.msk [tilespmem:v13+s2+$0x0], $0xffff;
	[tilespmem:s31+$0xFFFFFE70] =	vst v11  }
0x255: {  	v11 =	vadd.s32 s29, v6;
	[tilespmem:s30+$0xFFFFFFE0] =	vst v15;
	v13 =	vld.idx.msk [tilespmem:v21+s2+$0x0], $0xffff  }
0x256: {  	s6 =	sadd.s32 $0x1, s4;
	v15 =	vadd.s32 s3, v7;
	[tilespmem:s30+$0xFFFFFEE0] =	vst v14;
	v14 =	vld.idx.msk [tilespmem:v19+s2+$0x0], $0xffff  }
0x257: {  	v19 =	vadd.s32 s6, v4;
	v20 =	vld.idx.msk [tilespmem:v20+s2+$0x0], $0xffff;
	[tilespmem:s30+$0xFFFFFF60] =	vst v16  }
0x258: {  	v16 =	vld.idx.msk [tilespmem:v22+s2+$0x0], $0xffff;
	[tilespmem:s30+$0xFFFFFE60] =	vst v18;
	v18 =	vadd.s32 s10, v3;
	s10 =	smov.u32 s11  }
0x259: {  	v21 =	vadd.s32 s26, v3;
	s26 =	smov.u32 s28;
	s28 =	smov.u32 s6;
	v22 =	vld.idx.msk [tilespmem:v12+s2+$0x0], $0xffff;
	[tilespmem:s31+$0xFFFFFF00] =	vst v10  }
0x25a: {  	v24 =	vadd.s32 s10, v2;
	v11 =	vld.idx.msk [tilespmem:v11+s2+$0x0], $0xffff;
	[tilespmem:s31+$0xFFFFFF80] =	vst v17  }
0x25b: {  	v26 =	vadd.s32 s26, v2;
	v25 =	vld.idx.msk [tilespmem:v15+s2+$0x0], $0xffff;
	[tilespmem:s31+$0xFFFFFE80] =	vst v13;
	s31 =	smov.u32 s30  }
0x25c: {  	v27 =	vld.idx.msk [tilespmem:v19+s2+$0x0], $0xffff;
	v19 =	vadd.s32 s0, v2;
	[tilespmem:s30+$0xFFFFFFF0] =	vst v14  }
0x25d: {  	v28 =	vadd.s32 s3, v8;
	s30 =	sadd.s32 $0x200, s30;
	[tilespmem:s31+$0xFFFFFEF0] =	vst v20;
	v12 =	vld.idx.msk [tilespmem:v18+s2+$0x0], $0xffff  }
.Ltmp11:
0x25e: {  	v17 =	vadd.s32 s25, v3;
	s25 =	smov.u32 s0;
	s0 =	sadd.s32 $0x2, s4;
	[tilespmem:s30+$0xFFFFFFD0] =	vst v16;
	v10 =	vld.idx.msk [tilespmem:v21+s2+$0x0], $0xffff;
	(pc) =	sbr.rel @p0 .LBB2_20-.Ltmp11, $4  }
0x25f: {  	v13 =	vadd.s32 s0, v4;
	[tilespmem:s30+$0xFFFFFED0] =	vst v9;
	v15 =	vld.idx.msk [tilespmem:v24+s2+$0x0], $0xffff  }
0x260: {  	v21 =	vadd.s32 s29, v5;
	s29 =	smov.u32 s3;
	s3 =	smov.u32 s13;
	s13 =	smov.u32 s4;
	v14 =	vld.idx.msk [tilespmem:v26+s2+$0x0], $0xffff;
	[tilespmem:s30+$0xFFFFFF50] =	vst v23  }
0x261: {  	[tilespmem:s30+$0xFFFFFE50] =	vst v25;
	v16 =	vld.idx.msk [tilespmem:v19+s2+$0x0], $0xffff;
	v19 =	vadd.s32 s10, v1  }
0x262: {  	v20 =	vadd.s32 s26, v1;
	s4 =	sadd.s32 $0x4, s4;
	s11 =	sadd.s32 $0x3, s13;
	v9 =	vmov v27;
	v18 =	vld.idx.msk [tilespmem:v28+s2+$0x0], $0xffff;
	[tilespmem:s31+$0xFFFFFF70] =	vst v22  }
0x263: {  	_ = 	snop  }
0x264: {  	[tilespmem:s31+$0x0] =	vst v12  }
0x265: {  	v4 =	vadd.s32 s11, v4;
	[tilespmem:s31+$0xFFFFFE70] =	vst v11  }
0x266: {  	[tilespmem:s31+$0xFFFFFF00] =	vst v10  }
0x267: {  	v11 =	vld.idx.msk [tilespmem:v17+s2+$0x0], $0xffff;
	s4 =	sadd.s32 $0x200, s30;
	[tilespmem:s30+$0xFFFFFFE0] =	vst v15  }
0x268: {  	v7 =	vadd.s32 s3, v7;
	v12 =	vld.idx.msk [tilespmem:v21+s2+$0x0], $0xffff;
	[tilespmem:s4+$0xFFFFFED0] =	vst v9  }
0x269: {  	v15 =	vadd.s32 s25, v1;
	[tilespmem:s30+$0xFFFFFEE0] =	vst v14;
	v14 =	vld.idx.msk [tilespmem:v19+s2+$0x0], $0xffff  }
0x26a: {  	v17 =	vadd.s32 s10, v3;
	[tilespmem:s30+$0xFFFFFF60] =	vst v16;
	v4 =	vld.idx.msk [tilespmem:v4+s2+$0x0], $0xffff  }
0x26b: {  	v10 =	vadd.s32 s11, v2;
	v16 =	vld.idx.msk [tilespmem:v20+s2+$0x0], $0xffff;
	[tilespmem:s30+$0xFFFFFE60] =	vst v18  }
0x26c: {  	[tilespmem:s31+$0xFFFFFF80] =	vst v11;
	v11 =	vld.idx.msk [tilespmem:v13+s2+$0x0], $0xffff;
	v13 =	vadd.s32 s28, v2  }
0x26d: {  	v7 =	vld.idx.msk [tilespmem:v7+s2+$0x0], $0xffff;
	v2 =	vadd.s32 s0, v2;
	[tilespmem:s31+$0xFFFFFE80] =	vst v12  }
0x26e: {  	v8 =	vadd.s32 s3, v8;
	v12 =	vld.idx.msk [tilespmem:v15+s2+$0x0], $0xffff;
	[tilespmem:s30+$0xFFFFFFF0] =	vst v14  }
0x26f: {  	v14 =	vadd.s32 s29, v6;
	v15 =	vld.idx.msk [tilespmem:v17+s2+$0x0], $0xffff;
	[tilespmem:s4+$0xFFFFFFD0] =	vst v4  }
0x270: {  	[tilespmem:s30+$0xFFFFFEF0] =	vst v16;
	v4 =	vadd.s32 s26, v3;
	v9 =	vld.idx.msk [tilespmem:v10+s2+$0x0], $0xffff  }
0x271: {  	[tilespmem:s4+$0xFFFFFF50] =	vst v11;
	v11 =	vadd.s32 s11, v1;
	v10 =	vld.idx.msk [tilespmem:v13+s2+$0x0], $0xffff  }
0x272: {  	[tilespmem:s4+$0xFFFFFE50] =	vst v7;
	v7 =	vadd.s32 s28, v1;
	v2 =	vld.idx.msk [tilespmem:v2+s2+$0x0], $0xffff  }
0x273: {  	v1 =	vadd.s32 s0, v1;
	v8 =	vld.idx.msk [tilespmem:v8+s2+$0x0], $0xffff;
	[tilespmem:s30+$0xFFFFFF70] =	vst v12  }
0x274: {  	v6 =	vadd.s32 s3, v6;
	v12 =	vld.idx.msk [tilespmem:v14+s2+$0x0], $0xffff;
	[tilespmem:s30+$0x0] =	vst v15  }
0x275: {  	v13 =	vadd.s32 s25, v3;
	v4 =	vld.idx.msk [tilespmem:v4+s2+$0x0], $0xffff;
	[tilespmem:s4+$0xFFFFFFE0] =	vst v9  }
0x276: {  	v9 =	vadd.s32 s29, v5;
	[tilespmem:s4+$0xFFFFFEE0] =	vst v10;
	v10 =	vld.idx.msk [tilespmem:v11+s2+$0x0], $0xffff  }
0x277: {  	[tilespmem:s4+$0xFFFFFF60] =	vst v2;
	v2 =	vadd.s32 s11, v3;
	v7 =	vld.idx.msk [tilespmem:v7+s2+$0x0], $0xffff  }
0x278: {  	[tilespmem:s4+$0xFFFFFE60] =	vst v8;
	v8 =	vadd.s32 s28, v3;
	v1 =	vld.idx.msk [tilespmem:v1+s2+$0x0], $0xffff  }
0x279: {  	v3 =	vadd.s32 s0, v3;
	[tilespmem:s30+$0xFFFFFE70] =	vst v12;
	v6 =	vld.idx.msk [tilespmem:v6+s2+$0x0], $0xffff  }
0x27a: {  	v11 =	vld.idx.msk [tilespmem:v13+s2+$0x0], $0xffff;
	[tilespmem:s30+$0xFFFFFF00] =	vst v4;
	v4 =	vadd.s32 s3, v5  }
0x27b: {  	v5 =	vld.idx.msk [tilespmem:v9+s2+$0x0], $0xffff;
	[tilespmem:s4+$0xFFFFFFF0] =	vst v10  }
0x27c: {  	[tilespmem:s4+$0xFFFFFEF0] =	vst v7;
	v2 =	vld.idx.msk [tilespmem:v2+s2+$0x0], $0xffff  }
0x27d: {  	[tilespmem:s4+$0xFFFFFF70] =	vst v1;
	v7 =	vld.idx.msk [tilespmem:v8+s2+$0x0], $0xffff  }
0x27e: {  	[tilespmem:s4+$0xFFFFFE70] =	vst v6;
	v1 =	vld.idx.msk [tilespmem:v3+s2+$0x0], $0xffff  }
0x27f: {  	[tilespmem:s30+$0xFFFFFF80] =	vst v11;
	v3 =	vld.idx.msk [tilespmem:v4+s2+$0x0], $0xffff  }
0x280: {  	[tilespmem:s30+$0xFFFFFE80] =	vst v5  }
0x281: {  	[tilespmem:s4+$0x0] =	vst v2  }
0x282: {  	[tilespmem:s4+$0xFFFFFF00] =	vst v7  }
0x283: {  	[tilespmem:s4+$0xFFFFFF80] =	vst v1  }
0x284: {  	[tilespmem:s4+$0xFFFFFE80] =	vst v3  }
0x285: {  	v1 =	vld [tilespmem:s23+$0xC40];
	_ =	sdelay $0x4  }
0x286: {  	v1 =	vmul.u32 $0x41, v1  }
0x287: {  	v2 =	vld [tilespmem:s23+$0xC50]  }
0x288: {  	s11 =	simm.s32 $0x3;
	v3 =	vadd.s32 v0, v1  }
0x289: {  	s13 =	simm.s32 $0x1;
	v1 =	vadd.s32 s11, v3  }
0x28a: {  	s31 =	simm.s32 $0x2;
	v4 =	vadd.s32 s13, v3  }
0x28b: {  	v6 =	vld [tilespmem:s23+$0xC60];
	v5 =	vadd.s32 s31, v3  }
0x28c: {  	s25 =	simm.s32 $0x5;
	v8 =	vld [tilespmem:s23+$0xC70];
	v2 =	vmul.u32 $0x41, v2  }
0x28d: {  	s23 =	simm.s32 $0x6;
	v10 =	vadd.s32 s25, v3;
	v11 =	vld.idx.msk [tilespmem:v3+s2+$0x0], $0xffff  }
0x28e: {  	v2 =	vadd.s32 v0, v2;
	v13 =	vadd.s32 s23, v3;
	v1 =	vld.idx.msk [tilespmem:v1+s2+$0x0], $0xffff  }
0x28f: {  	v7 =	vadd.s32 s11, v2;
	v4 =	vld.idx.msk [tilespmem:v4+s2+$0x0], $0xffff  }
0x290: {  	v9 =	vadd.s32 s13, v2;
	v5 =	vld.idx.msk [tilespmem:v5+s2+$0x0], $0xffff  }
0x291: {  	s30 =	simm.s32 $0x1B2F0;
	v12 =	vadd.s32 s31, v2  }
0x292: {  	s10 =	simm.s32 $0x7;
	v6 =	vmul.u32 $0x41, v6;
	v8 =	vmul.u32 $0x41, v8;
	v14 =	vld.idx.msk [tilespmem:v10+s2+$0x0], $0xffff;
	[tilespmem:s30+$0xFFFFFE50] =	vst v11  }
0x293: {  	s26 =	simm.s32 $0x9;
	v16 =	vld.idx.msk [tilespmem:v13+s2+$0x0], $0xffff;
	v11 =	vadd.s32 s10, v3;
	[tilespmem:s30+$0xFFFFFFD0] =	vst v1  }
0x294: {  	v1 =	vadd.s32 v0, v6;
	[tilespmem:s30+$0xFFFFFED0] =	vst v4;
	v0 =	vadd.s32 v0, v8;
	v8 =	vadd.s32 s26, v3;
	v4 =	vld.idx.msk [tilespmem:v7+s2+$0x0], $0xffff  }
0x295: {  	[tilespmem:s30+$0xFFFFFF50] =	vst v5;
	v7 =	vld.idx.msk [tilespmem:v9+s2+$0x0], $0xffff;
	v9 =	vadd.s32 s11, v1  }
0x296: {  	v5 =	vadd.s32 s13, v1;
	v10 =	vld.idx.msk [tilespmem:v12+s2+$0x0], $0xffff  }
0x297: {  	s29 =	simm.s32 $0x1B4F0;
	v12 =	vld.idx.msk [tilespmem:v2+s2+$0x0], $0xffff;
	v15 =	vadd.s32 s31, v1  }
0x298: {  	s28 =	simm.s32 $0x0;
	v6 =	vadd.s32 $0x4, v3;
	[tilespmem:s29+$0xFFFFFED0] =	vst v14;
	v13 =	vld.idx.msk [tilespmem:v11+s2+$0x0], $0xffff  }
0x299: {  	v8 =	vld.idx.msk [tilespmem:v8+s2+$0x0], $0xffff;
	[tilespmem:s30+$0xFFFFFFE0] =	vst v4;
	v4 =	vadd.s32 s28, v6  }
0x29a: {  	v17 =	vadd.s32 s25, v2;
	[tilespmem:s30+$0xFFFFFEE0] =	vst v7;
	v9 =	vld.idx.msk [tilespmem:v9+s2+$0x0], $0xffff  }
0x29b: {  	v11 =	vadd.s32 s11, v0;
	[tilespmem:s30+$0xFFFFFF60] =	vst v10;
	v5 =	vld.idx.msk [tilespmem:v5+s2+$0x0], $0xffff  }
0x29c: {  	[tilespmem:s30+$0xFFFFFE60] =	vst v12;
	v12 =	vadd.s32 s13, v0;
	v20 =	vld.idx.msk [tilespmem:v15+s2+$0x0], $0xffff  }
0x29d: {  	[tilespmem:s29+$0xFFFFFF50] =	vst v16;
	v15 =	vadd.s32 s10, v2;
	v10 =	vld.idx.msk [tilespmem:v1+s2+$0x0], $0xffff  }
0x29e: {  	v18 =	vadd.s32 s23, v2;
	v7 =	vadd.s32 $0x4, v2;
	[tilespmem:s29+$0xFFFFFFD0] =	vst v13;
	v4 =	vld.idx.msk [tilespmem:v4+s2+$0x0], $0xffff  }
0x29f: {  	v19 =	vadd.s32 s28, v7;
	v13 =	vld.idx.msk [tilespmem:v17+s2+$0x0], $0xffff;
	[tilespmem:s30+$0xFFFFFFF0] =	vst v9  }
0x2a0: {  	s0 =	simm.s32 $0xA;
	v16 =	vadd.s32 s31, v0;
	[tilespmem:s30+$0xFFFFFEF0] =	vst v5;
	v11 =	vld.idx.msk [tilespmem:v11+s2+$0x0], $0xffff  }
0x2a1: {  	v9 =	vld.idx.msk [tilespmem:v12+s2+$0x0], $0xffff;
	v12 =	vadd.s32 s0, v3  }
0x2a2: {  	v14 =	vld.idx.msk [tilespmem:v15+s2+$0x0], $0xffff;
	[tilespmem:s30+$0xFFFFFF70] =	vst v20;
	v20 =	vmov v0  }
0x2a3: {  	s3 =	simm.s32 $0x4;
	v15 =	vld.idx.msk [tilespmem:v18+s2+$0x0], $0xffff;
	v18 =	vadd.s32 s10, v1;
	[tilespmem:s29+$0xFFFFFE50] =	vst v4  }
0x2a4: {  	s4 =	simm.s32 $0xC;
	s11 =	simm.s32 $0xB;
	s13 =	simm.s32 $0x8;
	v5 =	vadd.s32 $0x4, v1;
	v4 =	vadd.s32 $0x4, v0;
	v17 =	vld.idx.msk [tilespmem:v19+s2+$0x0], $0xffff;
	v19 =	vadd.s32 s25, v1  }
.LBB2_22:
0x2a5: {  	p0 =	slt.u32 s4, $0x3C;
	v21 =	vadd.s32 s11, v3;
	v16 =	vld.idx.msk [tilespmem:v16+s2+$0x0], $0xffff;
	[tilespmem:s30+$0x0] =	vst v11  }
0x2a6: {  	v11 =	vadd.s32 s23, v1;
	v22 =	vld.idx.msk [tilespmem:v12+s2+$0x0], $0xffff;
	[tilespmem:s30+$0xFFFFFE70] =	vst v10  }
0x2a7: {  	v10 =	vadd.s32 s28, v5;
	[tilespmem:s29+$0xFFFFFFE0] =	vst v14;
	v12 =	vld.idx.msk [tilespmem:v20+s2+$0x0], $0xffff  }
0x2a8: {  	s6 =	sadd.s32 $0x1, s4;
	v14 =	vadd.s32 s3, v6;
	[tilespmem:s29+$0xFFFFFEE0] =	vst v13;
	v13 =	vld.idx.msk [tilespmem:v18+s2+$0x0], $0xffff  }
0x2a9: {  	v18 =	vadd.s32 s6, v3;
	v19 =	vld.idx.msk [tilespmem:v19+s2+$0x0], $0xffff;
	[tilespmem:s29+$0xFFFFFF60] =	vst v15  }
0x2aa: {  	v15 =	vld.idx.msk [tilespmem:v21+s2+$0x0], $0xffff;
	[tilespmem:s29+$0xFFFFFE60] =	vst v17;
	v17 =	vadd.s32 s10, v0;
	s10 =	smov.u32 s11  }
0x2ab: {  	v20 =	vadd.s32 s25, v0;
	s25 =	smov.u32 s26;
	s26 =	smov.u32 s6;
	v21 =	vld.idx.msk [tilespmem:v11+s2+$0x0], $0xffff;
	[tilespmem:s30+$0xFFFFFF00] =	vst v9  }
0x2ac: {  	v23 =	vadd.s32 s10, v2;
	v10 =	vld.idx.msk [tilespmem:v10+s2+$0x0], $0xffff;
	[tilespmem:s30+$0xFFFFFF80] =	vst v16  }
0x2ad: {  	v25 =	vadd.s32 s25, v2;
	v24 =	vld.idx.msk [tilespmem:v14+s2+$0x0], $0xffff;
	[tilespmem:s30+$0xFFFFFE80] =	vst v12;
	s30 =	smov.u32 s29  }
0x2ae: {  	v26 =	vld.idx.msk [tilespmem:v18+s2+$0x0], $0xffff;
	v18 =	vadd.s32 s0, v2;
	[tilespmem:s29+$0xFFFFFFF0] =	vst v13  }
0x2af: {  	v27 =	vadd.s32 s3, v7;
	s29 =	sadd.s32 $0x200, s29;
	[tilespmem:s30+$0xFFFFFEF0] =	vst v19;
	v11 =	vld.idx.msk [tilespmem:v17+s2+$0x0], $0xffff  }
.Ltmp12:
0x2b0: {  	v16 =	vadd.s32 s23, v0;
	s23 =	smov.u32 s0;
	s0 =	sadd.s32 $0x2, s4;
	[tilespmem:s29+$0xFFFFFFD0] =	vst v15;
	v9 =	vld.idx.msk [tilespmem:v20+s2+$0x0], $0xffff;
	(pc) =	sbr.rel @p0 .LBB2_22-.Ltmp12, $4  }
0x2b1: {  	v12 =	vadd.s32 s0, v3;
	[tilespmem:s29+$0xFFFFFED0] =	vst v8;
	v14 =	vld.idx.msk [tilespmem:v23+s2+$0x0], $0xffff  }
0x2b2: {  	v20 =	vadd.s32 s28, v4;
	s28 =	smov.u32 s3;
	s3 =	smov.u32 s13;
	s13 =	smov.u32 s4;
	v13 =	vld.idx.msk [tilespmem:v25+s2+$0x0], $0xffff;
	[tilespmem:s29+$0xFFFFFF50] =	vst v22  }
0x2b3: {  	[tilespmem:s29+$0xFFFFFE50] =	vst v24;
	v15 =	vld.idx.msk [tilespmem:v18+s2+$0x0], $0xffff;
	v18 =	vadd.s32 s10, v1  }
0x2b4: {  	v19 =	vadd.s32 s25, v1;
	s4 =	sadd.s32 $0x4, s4;
	s11 =	sadd.s32 $0x3, s13;
	v8 =	vmov v26;
	v17 =	vld.idx.msk [tilespmem:v27+s2+$0x0], $0xffff;
	[tilespmem:s30+$0xFFFFFF70] =	vst v21  }
0x2b5: {  	_ = 	snop  }
0x2b6: {  	[tilespmem:s30+$0x0] =	vst v11  }
0x2b7: {  	[tilespmem:s30+$0xFFFFFE70] =	vst v10  }
0x2b8: {  	[tilespmem:s30+$0xFFFFFF00] =	vst v9  }
0x2b9: {  	v3 =	vadd.s32 s11, v3;
	v33 =	vld.idx.msk [tilespmem:v16+s2+$0x0], $0xffff;
	s4 =	sadd.s32 $0x200, s29;
	[tilespmem:s29+$0xFFFFFFE0] =	vst v14  }
0x2ba: {  	v6 =	vadd.s32 s3, v6;
	v40 =	vld.idx.msk [tilespmem:v12+s2+$0x0], $0xffff;
	[tilespmem:s4+$0xFFFFFED0] =	vst v8  }
0x2bb: {  	v36 =	vadd.s32 s23, v1;
	v34 =	vld.idx.msk [tilespmem:v20+s2+$0x0], $0xffff;
	[tilespmem:s29+$0xFFFFFEE0] =	vst v13  }
0x2bc: {  	v41 =	vadd.s32 s26, v2;
	v35 =	vld.idx.msk [tilespmem:v18+s2+$0x0], $0xffff;
	[tilespmem:s29+$0xFFFFFF60] =	vst v15  }
0x2bd: {  	v44 =	vadd.s32 s28, v5;
	v37 =	vld.idx.msk [tilespmem:v19+s2+$0x0], $0xffff;
	[tilespmem:s29+$0xFFFFFE60] =	vst v17  }
0x2be: {  	v42 =	vadd.s32 s0, v2;
	v3 =	vld.idx.msk [tilespmem:v3+s2+$0x0], $0xffff;
	[tilespmem:s30+$0xFFFFFF80] =	vst v33  }
0x2bf: {  	v39 =	vadd.s32 s11, v2;
	v6 =	vld.idx.msk [tilespmem:v6+s2+$0x0], $0xffff;
	[tilespmem:s4+$0xFFFFFF50] =	vst v40  }
0x2c0: {  	v7 =	vadd.s32 s3, v7;
	v43 =	vld.idx.msk [tilespmem:v36+s2+$0x0], $0xffff;
	[tilespmem:s30+$0xFFFFFE80] =	vst v34  }
0x2c1: {  	v38 =	vadd.s32 s10, v0;
	v48 =	vld.idx.msk [tilespmem:v41+s2+$0x0], $0xffff;
	[tilespmem:s29+$0xFFFFFFF0] =	vst v35  }
0x2c2: {  	v46 =	vadd.s32 s25, v0;
	v52 =	vld.idx.msk [tilespmem:v44+s2+$0x0], $0xffff;
	[tilespmem:s29+$0xFFFFFEF0] =	vst v37  }
0x2c3: {  	v50 =	vadd.s32 s26, v1;
	v2 =	vld.idx.msk [tilespmem:v42+s2+$0x0], $0xffff;
	[tilespmem:s4+$0xFFFFFFD0] =	vst v3  }
0x2c4: {  	v51 =	vadd.s32 s0, v1;
	[tilespmem:s4+$0xFFFFFE50] =	vst v6;
	v47 =	vld.idx.msk [tilespmem:v39+s2+$0x0], $0xffff  }
0x2c5: {  	v49 =	vadd.s32 s11, v1;
	[tilespmem:s29+$0xFFFFFF70] =	vst v43;
	v7 =	vld.idx.msk [tilespmem:v7+s2+$0x0], $0xffff  }
0x2c6: {  	v53 =	vadd.s32 s3, v5;
	v45 =	vld.idx.msk [tilespmem:v38+s2+$0x0], $0xffff;
	[tilespmem:s4+$0xFFFFFEE0] =	vst v48  }
0x2c7: {  	v54 =	vadd.s32 s23, v0;
	v3 =	vld.idx.msk [tilespmem:v46+s2+$0x0], $0xffff;
	[tilespmem:s29+$0xFFFFFE70] =	vst v52  }
0x2c8: {  	v55 =	vadd.s32 s28, v4;
	v6 =	vld.idx.msk [tilespmem:v50+s2+$0x0], $0xffff;
	[tilespmem:s4+$0xFFFFFF60] =	vst v2  }
0x2c9: {  	v58 =	vadd.s32 s26, v0;
	v1 =	vld.idx.msk [tilespmem:v51+s2+$0x0], $0xffff;
	[tilespmem:s4+$0xFFFFFFE0] =	vst v47  }
0x2ca: {  	v59 =	vadd.s32 s0, v0;
	[tilespmem:s4+$0xFFFFFE60] =	vst v7;
	v56 =	vld.idx.msk [tilespmem:v49+s2+$0x0], $0xffff  }
0x2cb: {  	v57 =	vadd.s32 s11, v0;
	[tilespmem:s29+$0x0] =	vst v45;
	v5 =	vld.idx.msk [tilespmem:v53+s2+$0x0], $0xffff  }
0x2cc: {  	v61 =	vadd.s32 s3, v4;
	v60 =	vld.idx.msk [tilespmem:v54+s2+$0x0], $0xffff;
	[tilespmem:s29+$0xFFFFFF00] =	vst v3  }
0x2cd: {  	v62 =	vld.idx.msk [tilespmem:v55+s2+$0x0], $0xffff;
	[tilespmem:s4+$0xFFFFFEF0] =	vst v6  }
0x2ce: {  	v6 =	vld.idx.msk [tilespmem:v58+s2+$0x0], $0xffff;
	[tilespmem:s4+$0xFFFFFF70] =	vst v1  }
0x2cf: {  	v0 =	vld.idx.msk [tilespmem:v59+s2+$0x0], $0xffff;
	[tilespmem:s4+$0xFFFFFFF0] =	vst v56  }
0x2d0: {  	[tilespmem:s4+$0xFFFFFE70] =	vst v5;
	v2 =	vld.idx.msk [tilespmem:v57+s2+$0x0], $0xffff  }
0x2d1: {  	s22 =	sadd.s32 $0x1, s22;
	[tilespmem:s29+$0xFFFFFF80] =	vst v60;
	v63 =	vld.idx.msk [tilespmem:v61+s2+$0x0], $0xffff  }
0x2d2: {  	p0 =	sne.s32 s22, $0x1A;
	[tilespmem:s29+$0xFFFFFE80] =	vst v62  }
.Ltmp13:
0x2d3: {  	[tilespmem:s4+$0xFFFFFF00] =	vst v6;
	(pc) =	sbr.rel @p0 .LBB2_2-.Ltmp13, $4  }
.Ltmp14:
0x2d4: {  	[tilespmem:s4+$0xFFFFFF80] =	vst v0;
	(pc) =	sbr.rel @!p0 .LBB2_24-.Ltmp14, $4  }
0x2d5: {  	[tilespmem:s4+$0x0] =	vst v2  }
0x2d6: {  	s31 =	sadd.s32 $0x180, s24;
	[tilespmem:s4+$0xFFFFFE80] =	vst v63  }
0x2d7: {  	[hbm4b:s31+s17] =	stream.strided.scatter [tilespmem:s19], [sflag:$0x2], $0x2000, s12, s17, $0x38;
	[tilespmem:$0x1D100] =	vst v63  }
0x2d8: {  	_ = 	snop  }
.LBB2_6:
.Ltmp15:
0x2d9: {  	(pc) =	sbr.rel .LBB2_7-.Ltmp15, $2  }
0x2da: {  	_ =	sdelay $0x2  }
0x2db: {  	p0 =	por $0x1, $0x1  }
.LBB2_25:
0x2dc: {  	_ =	sfence.sel $0x180000  }
0x2dd: {  	[bflag:$0x0] =	sbarrier.arrive $0xFFFF  }
0x2de: {  	_ =	strace $0x90000047  }
0x2df: {  	s0 =	stileid.u32;
	[bflag:$0x2] =	sbarrier.arrive $0xFFFF  }
0x2e0: {  	p0 =	sne.s32 s0, $0x0;
	s0 =	rddreg [dreg:$0x3]  }
0x2e1: {  	s0 =	sadd.s32 @!p0 $0x100000, s0  }
0x2e2: {  	[sflag:s0] =	ssyncadd.tile.s32 @!p0 $0x1;
	_ =	shalt  }
.Lfunc_end2:
_tile_overlayer_lowered:
.L_overlay_start_2:
0x2e3: {  	(tag) =	ssettag $0x2  }
0x2e4: {  	s0 =	rddreg [dreg:$0x0];
	s2 =	stileid.u32  }
0x2e5: {  	s1 =	rddreg [dreg:$0x1];
	p0 =	sne.s32 s2, $0x0  }
0x2e6: {  	s3 =	rddreg [dreg:$0x2];
	[bflag:$0x3] =	sbarrier.arrive $0xFFFF;
	s2 =	simm.s32 @!p0 $0x1C04  }
0x2e7: {  	[timem:s3], [sflag:s2] =	dma.local @!p0 [hbm:s0], s1  }
0x2e8: {  	s0 =	simm.s32 @!p0 $0x4  }
0x2e9: {  	_ =	swait.ge @!p0 [sflag:s0], s1  }
0x2ea: {  	s1 =	ssub.s32 @!p0 $0x0, s1;
	[sflag:s0] =	ssyncset.done @!p0 $0x0  }
0x2eb: {  	[sflag:s0] =	ssyncadd.s32 @!p0 s1  }
0x2ec: {  	[bflag:$0x3] =	sbarrier.arrive $0xFFFF  }
0x2ed: {  	_ =	shalt  }

</sc_bundles>
